<compile_context>
chip_gen: v7x
topology: tpu7x:2x2x1
jax: 0.10.2.dev20260603
libtpu: 0.0.44.dev20260713+nightly
codegen_flags: <defaults>
</compile_context>

<pallas_src>
import jax
import jax.numpy as jnp
from jax import lax
from jax.experimental import pallas as pl
from jax.experimental.pallas import tpu as pltpu
from jax.experimental.pallas import tpu_sc as plsc

_ROWS = 16384
_COLS = 2048
_NW = 32
_SPLIT = 10240
_RPW = _SPLIT // _NW
_RPW0 = 304
_RPW1 = 336
_K = 8
_NBUF = 3
_NVREG = _COLS // 16
_UNROLL = 8
_TC_BLK = 256
_TC_GRID = (_ROWS - _SPLIT) // _TC_BLK
_EPS = 1e-6


def _sc_body(mask_hbm, yh_hbm, y_hbm, out_hbm,
             mask_v, idx_v, yh_v, y_v, part_v, hsem, ysem):
    s = lax.axis_index("s")
    c = lax.axis_index("c")
    wid = s * 2 + c
    base = s * (_RPW0 + _RPW1) + c * _RPW0
    nrows = jnp.where(c == 0, _RPW0, _RPW1)

    pltpu.sync_copy(mask_hbm.at[pl.ds(base, _RPW1)], mask_v)

    lane = lax.iota(jnp.int32, 16)

    def _compact(j, cnt):
        m = mask_v[pl.ds(j * 16, 16)] != 0
        rows = base + j * 16 + lane
        mi = m.astype(jnp.int32)
        pos = cnt + plsc.cumsum(mi) - 1
        plsc.store_scatter(idx_v, [pos], rows, mask=m)
        return cnt + jnp.sum(mi)

    n = lax.fori_loop(0, nrows // 16, _compact, jnp.int32(0))
    idx_v[pl.ds(n, 16)] = jnp.full((16,), base, jnp.int32)

    nchunks = (n + _K - 1) // _K

    def _issue(c):
        p = c % _NBUF
        off = c * _K
        pltpu.async_copy(yh_hbm.at[idx_v.at[pl.ds(off, _K)]], yh_v.at[p],
                         hsem.at[p])
        pltpu.async_copy(y_hbm.at[idx_v.at[pl.ds(off, _K)]], y_v.at[p],
                         ysem.at[p])

    for w in range(_NBUF - 1):
        @pl.when(nchunks > w)
        def _prime(w=w):
            _issue(w)

    def _chunk(c, carry):
        p = c % _NBUF

        @pl.when(c + _NBUF - 1 < nchunks)
        def _next():
            _issue(c + _NBUF - 1)

        pltpu.make_async_copy(yh_hbm.at[idx_v.at[pl.ds(0, _K)]], yh_v.at[p],
                              hsem.at[p]).wait()
        pltpu.make_async_copy(y_hbm.at[idx_v.at[pl.ds(0, _K)]], y_v.at[p],
                              ysem.at[p]).wait()

        valid = jnp.minimum(n - c * _K, _K)

        def _row(r, rc):
            @plsc.parallel_loop(0, _NVREG, 1, unroll=_UNROLL, carry=rc)
            def _vblk(j, c2):
                a, cnt = c2
                yv = y_v[p, r, pl.ds(j * 16, 16)]
                hv = yh_v[p, r, pl.ds(j * 16, 16)]
                m = yv != 0.0
                d = jnp.where(m, hv - yv, 0.0)
                return a + d * d, cnt + plsc.all_reduce_population_count(m)

            return _vblk

        return lax.fori_loop(0, valid, _row, carry)

    acc, cf = lax.fori_loop(
        0, nchunks, _chunk,
        (jnp.zeros((16,), jnp.float32), jnp.zeros((16,), jnp.int32)))

    part_v[0, :] = acc
    part_v[1, :] = cf.astype(jnp.float32)
    pltpu.sync_copy(part_v, out_hbm.at[wid])


def _tc_dense(mask_ref, yh_ref, y_ref, out_ref, acc_ref, cnt_ref):
    i = pl.program_id(0)

    @pl.when(i == 0)
    def _init():
        acc_ref[0, 0] = 0.0
        cnt_ref[0, 0] = 0.0

    yh = yh_ref[...]
    yy = y_ref[...]
    w = mask_ref[0]
    nz = yy != 0.0
    d = yh - yy
    rowsum = jnp.sum(jnp.where(nz, d * d, 0.0), axis=1, keepdims=True)
    rowcnt = jnp.sum(jnp.where(nz, 1.0, 0.0), axis=1, keepdims=True)
    dims = (((1,), (0,)), ((), ()))
    acc_ref[0, 0] += jnp.sum(
        lax.dot_general(w, rowsum, dims, preferred_element_type=jnp.float32))
    cnt_ref[0, 0] += jnp.sum(
        lax.dot_general(w, rowcnt, dims, preferred_element_type=jnp.float32))

    @pl.when(i == _TC_GRID - 1)
    def _fin():
        out_ref[0, 0] = acc_ref[0, 0]
        out_ref[0, 1] = cnt_ref[0, 0]


def _tc_final(sc_ref, tc_ref, out_ref):
    p = sc_ref[...]
    acc = jnp.sum(p[:, 0, :]) + tc_ref[0, 0]
    cnt = jnp.sum(p[:, 1, :]) / 16.0 + tc_ref[0, 1]
    out_ref[0, 0] = jnp.sqrt(acc / cnt + _EPS)


def kernel(yhat, y, batch_mask):
    mask_i = batch_mask[:_SPLIT].astype(jnp.int32)
    maskf = batch_mask.astype(jnp.float32).reshape(_ROWS // _TC_BLK, 1, _TC_BLK)
    mesh = plsc.VectorSubcoreMesh(core_axis_name="c", subcore_axis_name="s")
    sc = pl.kernel(
        _sc_body,
        mesh=mesh,
        compiler_params=pltpu.CompilerParams(needs_layout_passes=False),
        out_type=jax.ShapeDtypeStruct((_NW, 2, 16), jnp.float32),
        scratch_types=[
            pltpu.VMEM((_RPW1,), jnp.int32),
            pltpu.VMEM((_RPW1 + 16,), jnp.int32),
            pltpu.VMEM((_NBUF, _K, _COLS), jnp.float32),
            pltpu.VMEM((_NBUF, _K, _COLS), jnp.float32),
            pltpu.VMEM((2, 16), jnp.float32),
            pltpu.SemaphoreType.DMA((_NBUF,)),
            pltpu.SemaphoreType.DMA((_NBUF,)),
        ],
    )
    sc_parts = sc(mask_i, yhat, y)

    base_blk = _SPLIT // _TC_BLK
    tc_parts = pl.pallas_call(
        _tc_dense,
        grid=(_TC_GRID,),
        compiler_params=pltpu.CompilerParams(skip_device_barrier=True),
        in_specs=[
            pl.BlockSpec((1, 1, _TC_BLK), lambda i: (base_blk + i, 0, 0)),
            pl.BlockSpec((_TC_BLK, _COLS), lambda i: (base_blk + i, 0)),
            pl.BlockSpec((_TC_BLK, _COLS), lambda i: (base_blk + i, 0)),
        ],
        out_specs=pl.BlockSpec(memory_space=pltpu.SMEM),
        out_shape=jax.ShapeDtypeStruct((1, 2), jnp.float32),
        scratch_shapes=[
            pltpu.SMEM((1, 1), jnp.float32),
            pltpu.SMEM((1, 1), jnp.float32),
        ],
    )(maskf, yhat, y)

    out = pl.pallas_call(
        _tc_final,
        in_specs=[
            pl.BlockSpec(memory_space=pltpu.VMEM),
            pl.BlockSpec(memory_space=pltpu.SMEM),
        ],
        out_specs=pl.BlockSpec(memory_space=pltpu.SMEM),
        out_shape=jax.ShapeDtypeStruct((1, 1), jnp.float32),
    )(sc_parts, tc_parts)
    return out.reshape(())

# --- scband reference (transcript-rebuilt; emitter-appended) ---
"""Pipeline reference for scband-non-zero-rmseloss-ae-85701777424697 (READ-ONLY COPY).

The authoritative reference and input builder live on the scoring server;
editing this copy changes nothing except your own understanding.
"""

import jax, jax.numpy as jnp
import numpy as np


def setup_inputs(seed: int = 0) -> dict:
    key = jax.random.key(seed)
    k1, k2, k3 = jax.random.split(key, 3)
    yhat = jax.random.normal(k1, (16384, 2048), dtype=jnp.float32)
    y = jax.random.normal(k2, (16384, 2048), dtype=jnp.float32)
    batch_mask = jax.random.randint(k3, (16384,), 0, 2).astype(jnp.bool_)
    return {"yhat": yhat, "y": y, "batch_mask": batch_mask}


def reference(yhat, y, batch_mask):
    # torch: y = y[batch_mask]; yhat = yhat[batch_mask]
    #        nz = torch.nonzero(y, as_tuple=True); select; sqrt(mse + eps)
    # Dynamic-shape boolean selection is rewritten as masked mean:
    # combined mask = batch row selected AND y element nonzero.
    eps = 1e-06
    mask = batch_mask[:, None] & (y != 0)
    maskf = mask.astype(yhat.dtype)
    cnt = jnp.sum(maskf)
    sq_err = (yhat - y) ** 2
    mse = jnp.sum(sq_err * maskf) / cnt
    return jnp.sqrt(mse + eps)

if __name__ == "__main__":
    import jax
    _d = setup_inputs()
    print(jax.jit(kernel)(*tuple(_d.values())))

</pallas_src>

<mosaic_0001>
#map = affine_map<(d0, d1) -> (0)>
#map1 = affine_map<(d0, d1) -> (0, 0)>
#map2 = affine_map<(d0, d1) -> (0, 0, 0)>
module attributes {stable_mosaic.version = 14 : i64} {
  func.func @_sc_body(%arg0: i32, %arg1: i32, %arg2: memref<10240xi32, #tpu.memory_space<hbm>>, %arg3: memref<16384x2048xf32, #tpu.memory_space<hbm>>, %arg4: memref<16384x2048xf32, #tpu.memory_space<hbm>>, %arg5: memref<32x2x16xf32, #tpu.memory_space<hbm>>, %arg6: memref<336xi32, #tpu.memory_space<vmem>>, %arg7: memref<352xi32, #tpu.memory_space<vmem>>, %arg8: memref<3x8x2048xf32, #tpu.memory_space<vmem>>, %arg9: memref<3x8x2048xf32, #tpu.memory_space<vmem>>, %arg10: memref<2x16xf32, #tpu.memory_space<vmem>>, %arg11: memref<3x!tpu.dma_semaphore, #tpu.memory_space<semaphore_mem>>, %arg12: memref<3x!tpu.dma_semaphore, #tpu.memory_space<semaphore_mem>>) attributes {dimension_semantics = [#tpu.dimension_semantics<core_parallel>, #tpu.dimension_semantics<subcore_parallel>], iteration_bounds = array<i64: 2, 16>, scalar_prefetch = 0 : i64, scratch_operands = 7 : i64, tpu.core_type = #tpu.core_type<sc_vector_subcore>, window_params = [{transform_indices = #map}, {transform_indices = #map1}, {transform_indices = #map1}, {transform_indices = #map2}]} {
    %mul3A = arith.constant 2 : i32
    %mul3A_0 = arith.muli %arg1, %mul3A : i32
    %add3A = arith.addi %mul3A_0, %arg0 : i32
    %mul3A_1 = arith.constant 640 : i32
    %mul3A_2 = arith.muli %arg1, %mul3A_1 : i32
    %mul3A_3 = arith.constant 304 : i32
    %mul3A_4 = arith.muli %arg0, %mul3A_3 : i32
    %add3A_5 = arith.addi %mul3A_2, %mul3A_4 : i32
    %eq3A = arith.constant 0 : i32
    %eq3A_6 = arith.cmpi eq, %arg0, %eq3A : i32
    %jit3A = arith.constant 304 : i32
    %jit3A_7 = arith.constant 336 : i32
    %select_n3A = arith.select %eq3A_6, %jit3A, %jit3A_7 : i32
    "tpu.region"() ({
      %run_scoped3A = tpu.sem_alloc : memref<!tpu.dma_semaphore, #tpu.memory_space<semaphore_mem>>
      %dma_start3A = tpu.memref_slice %arg2[%add3A_5] : memref<10240xi32, #tpu.memory_space<hbm>> -> memref<336xi32, #tpu.memory_space<hbm>>
      %dma_start3A_97 = tpu.memref_slice %arg2[%add3A_5] : memref<10240xi32, #tpu.memory_space<hbm>> -> memref<336xi32, #tpu.memory_space<hbm>>
      tpu.enqueue_dma source(%dma_start3A_97 : memref<336xi32, #tpu.memory_space<hbm>>) target(%arg6 : memref<336xi32, #tpu.memory_space<vmem>>) target_semaphore(%run_scoped3A : memref<!tpu.dma_semaphore, #tpu.memory_space<semaphore_mem>>)
      %dma_wait3A = tpu.memref_slice %arg2[%add3A_5] : memref<10240xi32, #tpu.memory_space<hbm>> -> memref<336xi32, #tpu.memory_space<hbm>>
      %dma_wait3A_98 = tpu.memref_slice %arg2[%add3A_5] : memref<10240xi32, #tpu.memory_space<hbm>> -> memref<336xi32, #tpu.memory_space<hbm>>
      tpu.wait_dma2 semaphore(%run_scoped3A : memref<!tpu.dma_semaphore, #tpu.memory_space<semaphore_mem>>) src(%dma_wait3A_98 : memref<336xi32, #tpu.memory_space<hbm>>) dst(%arg6 : memref<336xi32, #tpu.memory_space<vmem>>)
      tpu.yield
    }) : () -> ()
    %iota3A = tpu.iota {dimensions = array<i32: 0>} : vector<16xi32>
    %jit3A_8 = arith.constant 16 : i32
    %div3A = arith.divsi %select_n3A, %jit3A_8 : i32
    %sign3A = arith.constant 0 : i32
    %sign3A_9 = arith.cmpi sgt, %select_n3A, %sign3A : i32
    %sign3A_10 = arith.extui %sign3A_9 : i1 to i32
    %sign3A_11 = arith.constant 0 : i32
    %sign3A_12 = arith.cmpi slt, %select_n3A, %sign3A_11 : i32
    %sign3A_13 = arith.extui %sign3A_12 : i1 to i32
    %sign3A_14 = arith.subi %sign3A_10, %sign3A_13 : i32
    %sign3A_15 = arith.constant 0 : i32
    %sign3A_16 = arith.cmpi sgt, %jit3A_8, %sign3A_15 : i32
    %sign3A_17 = arith.extui %sign3A_16 : i1 to i32
    %sign3A_18 = arith.constant 0 : i32
    %sign3A_19 = arith.cmpi slt, %jit3A_8, %sign3A_18 : i32
    %sign3A_20 = arith.extui %sign3A_19 : i1 to i32
    %sign3A_21 = arith.subi %sign3A_17, %sign3A_20 : i32
    %ne3A = arith.cmpi ne, %sign3A_14, %sign3A_21 : i32
    %rem3A = arith.remsi %select_n3A, %jit3A_8 : i32
    %ne3A_22 = arith.constant 0 : i32
    %ne3A_23 = arith.cmpi ne, %rem3A, %ne3A_22 : i32
    %and3A = arith.andi %ne3A, %ne3A_23 : i1
    %sub3A = arith.constant 1 : i32
    %sub3A_24 = arith.subi %div3A, %sub3A : i32
    %select_n3A_25 = arith.select %and3A, %sub3A_24, %div3A : i32
    %while3A = arith.constant 0 : i32
    %while3A_26 = arith.constant 0 : i32
    %while3A_27 = arith.subi %select_n3A_25, %while3A : i32
    %while3A_28 = arith.addi %while3A, %while3A_27 : i32
    %while3A_29 = arith.constant 1 : i32
    %while3A_30 = arith.divsi %while3A_27, %while3A_29 : i32
    %while3A_31 = arith.muli %while3A_30, %while3A_29 : i32
    %while3A_32 = arith.addi %while3A, %while3A_31 : i32
    %while3A_33 = arith.constant 1 : i32
    %while3A_34 = scf.for %while3A_97 = %while3A to %while3A_32 step %while3A_33 iter_args(%while3A_98 = %while3A_26) -> (i32)  : i32 {
      %mul3A_99 = arith.constant 16 : i32
      %mul3A_100 = arith.muli %while3A_97, %mul3A_99 : i32
      %get3A = arith.index_cast %mul3A_100 : i32 to index
      %get3A_101 = tpu.vector_load %arg6[%get3A] {strides = array<i32>} : memref<336xi32, #tpu.memory_space<vmem>>, vector<16xi32>,
      %ne3A_102 = arith.constant 0 : i32
      %ne3A_103 = vector.broadcast %ne3A_102 : i32 to vector<16xi32>
      %ne3A_104 = arith.cmpi ne, %get3A_101, %ne3A_103 : vector<16xi32>
      %mul3A_105 = arith.constant 16 : i32
      %mul3A_106 = arith.muli %while3A_97, %mul3A_105 : i32
      %add3A_107 = arith.addi %add3A_5, %mul3A_106 : i32
      %add3A_108 = vector.broadcast %add3A_107 : i32 to vector<16xi32>
      %add3A_109 = arith.addi %add3A_108, %iota3A : vector<16xi32>
      %convert_element_type3A_110 = arith.extui %ne3A_104 : vector<16xi1> to vector<16xi32>
      %broadcast_in_dim3A_111 = arith.constant true
      %broadcast_in_dim3A_112 = vector.broadcast %broadcast_in_dim3A_111 : i1 to vector<16xi1>
      %masked_cumsum3A = tpu.scan <sum>, %convert_element_type3A_110 masked %broadcast_in_dim3A_112 : vector<16xi32>, vector<16xi1> -> vector<16xi32>
      %add3A_113 = vector.broadcast %while3A_98 : i32 to vector<16xi32>
      %add3A_114 = arith.addi %add3A_113, %masked_cumsum3A : vector<16xi32>
      %sub3A_115 = arith.constant 1 : i32
      %sub3A_116 = vector.broadcast %sub3A_115 : i32 to vector<16xi32>
      %sub3A_117 = arith.subi %add3A_114, %sub3A_116 : vector<16xi32>
      tpu.vector_store_idx %arg7[%sub3A_117], %add3A_109 masked %ne3A_104 : memref<352xi32, #tpu.memory_space<vmem>>[vector<16xi32>], vector<16xi32>, vector<16xi1>
      %reduce_sum3A = arith.constant true
      %reduce_sum3A_118 = vector.broadcast %reduce_sum3A : i1 to vector<16xi1>
      %reduce_sum3A_119 = tpu.scan <sum>, %convert_element_type3A_110 masked %reduce_sum3A_118 : vector<16xi32>, vector<16xi1> -> vector<16xi32>
      %reduce_sum3A_120 = vector.extract %reduce_sum3A_119[15] : i32 from vector<16xi32>
      %add3A_121 = arith.addi %while3A_98, %reduce_sum3A_120 : i32
      scf.yield %add3A_121 : i32
    }
    %while3A_35 = arith.constant 1 : i32
    %while3A_36 = scf.for %while3A_97 = %while3A_32 to %while3A_28 step %while3A_35 iter_args(%while3A_98 = %while3A_34) -> (i32)  : i32 {
      %mul3A_99 = arith.constant 16 : i32
      %mul3A_100 = arith.muli %while3A_97, %mul3A_99 : i32
      %get3A = arith.index_cast %mul3A_100 : i32 to index
      %get3A_101 = tpu.vector_load %arg6[%get3A] {strides = array<i32>} : memref<336xi32, #tpu.memory_space<vmem>>, vector<16xi32>,
      %ne3A_102 = arith.constant 0 : i32
      %ne3A_103 = vector.broadcast %ne3A_102 : i32 to vector<16xi32>
      %ne3A_104 = arith.cmpi ne, %get3A_101, %ne3A_103 : vector<16xi32>
      %mul3A_105 = arith.constant 16 : i32
      %mul3A_106 = arith.muli %while3A_97, %mul3A_105 : i32
      %add3A_107 = arith.addi %add3A_5, %mul3A_106 : i32
      %add3A_108 = vector.broadcast %add3A_107 : i32 to vector<16xi32>
      %add3A_109 = arith.addi %add3A_108, %iota3A : vector<16xi32>
      %convert_element_type3A_110 = arith.extui %ne3A_104 : vector<16xi1> to vector<16xi32>
      %broadcast_in_dim3A_111 = arith.constant true
      %broadcast_in_dim3A_112 = vector.broadcast %broadcast_in_dim3A_111 : i1 to vector<16xi1>
      %masked_cumsum3A = tpu.scan <sum>, %convert_element_type3A_110 masked %broadcast_in_dim3A_112 : vector<16xi32>, vector<16xi1> -> vector<16xi32>
      %add3A_113 = vector.broadcast %while3A_98 : i32 to vector<16xi32>
      %add3A_114 = arith.addi %add3A_113, %masked_cumsum3A : vector<16xi32>
      %sub3A_115 = arith.constant 1 : i32
      %sub3A_116 = vector.broadcast %sub3A_115 : i32 to vector<16xi32>
      %sub3A_117 = arith.subi %add3A_114, %sub3A_116 : vector<16xi32>
      tpu.vector_store_idx %arg7[%sub3A_117], %add3A_109 masked %ne3A_104 : memref<352xi32, #tpu.memory_space<vmem>>[vector<16xi32>], vector<16xi32>, vector<16xi1>
      %reduce_sum3A = arith.constant true
      %reduce_sum3A_118 = vector.broadcast %reduce_sum3A : i1 to vector<16xi1>
      %reduce_sum3A_119 = tpu.scan <sum>, %convert_element_type3A_110 masked %reduce_sum3A_118 : vector<16xi32>, vector<16xi1> -> vector<16xi32>
      %reduce_sum3A_120 = vector.extract %reduce_sum3A_119[15] : i32 from vector<16xi32>
      %add3A_121 = arith.addi %while3A_98, %reduce_sum3A_120 : i32
      scf.yield %add3A_121 : i32
    }
    %broadcast_in_dim3A = vector.broadcast %add3A_5 : i32 to vector<16xi32>
    %swap3A = arith.index_cast %while3A_36 : i32 to index
    %swap3A_37 = tpu.vector_load %arg7[%swap3A] {strides = array<i32>} : memref<352xi32, #tpu.memory_space<vmem>>, vector<16xi32>,
    tpu.vector_store %arg7[%swap3A], %broadcast_in_dim3A {strides = array<i32>} : memref<352xi32, #tpu.memory_space<vmem>>, vector<16xi32>,
    %add3A_38 = arith.constant 8 : i32
    %add3A_39 = arith.addi %while3A_36, %add3A_38 : i32
    %sub3A_40 = arith.constant 1 : i32
    %sub3A_41 = arith.subi %add3A_39, %sub3A_40 : i32
    %jit3A_42 = arith.constant 8 : i32
    %div3A_43 = arith.divsi %sub3A_41, %jit3A_42 : i32
    %sign3A_44 = arith.constant 0 : i32
    %sign3A_45 = arith.cmpi sgt, %sub3A_41, %sign3A_44 : i32
    %sign3A_46 = arith.extui %sign3A_45 : i1 to i32
    %sign3A_47 = arith.constant 0 : i32
    %sign3A_48 = arith.cmpi slt, %sub3A_41, %sign3A_47 : i32
    %sign3A_49 = arith.extui %sign3A_48 : i1 to i32
    %sign3A_50 = arith.subi %sign3A_46, %sign3A_49 : i32
    %sign3A_51 = arith.constant 0 : i32
    %sign3A_52 = arith.cmpi sgt, %jit3A_42, %sign3A_51 : i32
    %sign3A_53 = arith.extui %sign3A_52 : i1 to i32
    %sign3A_54 = arith.constant 0 : i32
    %sign3A_55 = arith.cmpi slt, %jit3A_42, %sign3A_54 : i32
    %sign3A_56 = arith.extui %sign3A_55 : i1 to i32
    %sign3A_57 = arith.subi %sign3A_53, %sign3A_56 : i32
    %ne3A_58 = arith.cmpi ne, %sign3A_50, %sign3A_57 : i32
    %rem3A_59 = arith.remsi %sub3A_41, %jit3A_42 : i32
    %ne3A_60 = arith.constant 0 : i32
    %ne3A_61 = arith.cmpi ne, %rem3A_59, %ne3A_60 : i32
    %and3A_62 = arith.andi %ne3A_58, %ne3A_61 : i1
    %sub3A_63 = arith.constant 1 : i32
    %sub3A_64 = arith.subi %div3A_43, %sub3A_63 : i32
    %select_n3A_65 = arith.select %and3A_62, %sub3A_64, %div3A_43 : i32
    %gt3A = arith.constant 0 : i32
    %gt3A_66 = arith.cmpi sgt, %select_n3A_65, %gt3A : i32
    %convert_element_type3A = arith.extui %gt3A_66 : i1 to i32
    %cond3A = arith.constant 0 : i32
    %cond3A_67 = arith.cmpi ne, %convert_element_type3A, %cond3A : i32
    scf.if %cond3A_67 {
      %dma_start3A = arith.constant 0 : i32
      %dma_start3A_97 = arith.constant 0 : i32
      %dma_start3A_98 = arith.constant 0 : i32
      %dma_start3A_99 = arith.constant 0 : i32
      %dma_start3A_100 = tpu.memref_slice %arg8[%dma_start3A, %dma_start3A_98, %dma_start3A_99] : memref<3x8x2048xf32, #tpu.memory_space<vmem>> -> memref<1x8x2048xf32, #tpu.memory_space<vmem>>
      %dma_start3A_101 = tpu.memref_squeeze %dma_start3A_100 : memref<1x8x2048xf32, #tpu.memory_space<vmem>> -> memref<8x2048xf32, #tpu.memory_space<vmem>>
      %dma_start3A_102 = arith.constant 0 : i32
      %dma_start3A_103 = tpu.memref_slice %arg7[%dma_start3A_102] : memref<352xi32, #tpu.memory_space<vmem>> -> memref<8xi32, #tpu.memory_space<vmem>>
      %dma_start3A_104 = arith.constant 0 : i32
      %dma_start3A_105 = arith.constant 0 : i32
      %dma_start3A_106 = tpu.memref_slice %arg3[%dma_start3A_104, %dma_start3A_105] : memref<16384x2048xf32, #tpu.memory_space<hbm>> -> memref<16384x2048xf32, #tpu.memory_space<hbm>>
      %dma_start3A_107 = tpu.memref_slice %arg11[%dma_start3A_97] : memref<3x!tpu.dma_semaphore, #tpu.memory_space<semaphore_mem>> -> memref<1x!tpu.dma_semaphore, #tpu.memory_space<semaphore_mem>>
      %dma_start3A_108 = tpu.memref_squeeze %dma_start3A_107 : memref<1x!tpu.dma_semaphore, #tpu.memory_space<semaphore_mem>> -> memref<!tpu.dma_semaphore, #tpu.memory_space<semaphore_mem>>
      tpu.enqueue_indirect_dma source(%dma_start3A_106 : memref<16384x2048xf32, #tpu.memory_space<hbm>>) target(%dma_start3A_101 : memref<8x2048xf32, #tpu.memory_space<vmem>>) offsets(%dma_start3A_103 : memref<8xi32, #tpu.memory_space<vmem>>) semaphore(%dma_start3A_108 : memref<!tpu.dma_semaphore, #tpu.memory_space<semaphore_mem>>)
      %dma_start3A_109 = arith.constant 0 : i32
      %dma_start3A_110 = arith.constant 0 : i32
      %dma_start3A_111 = arith.constant 0 : i32
      %dma_start3A_112 = arith.constant 0 : i32
      %dma_start3A_113 = tpu.memref_slice %arg9[%dma_start3A_109, %dma_start3A_111, %dma_start3A_112] : memref<3x8x2048xf32, #tpu.memory_space<vmem>> -> memref<1x8x2048xf32, #tpu.memory_space<vmem>>
      %dma_start3A_114 = tpu.memref_squeeze %dma_start3A_113 : memref<1x8x2048xf32, #tpu.memory_space<vmem>> -> memref<8x2048xf32, #tpu.memory_space<vmem>>
      %dma_start3A_115 = arith.constant 0 : i32
      %dma_start3A_116 = tpu.memref_slice %arg7[%dma_start3A_115] : memref<352xi32, #tpu.memory_space<vmem>> -> memref<8xi32, #tpu.memory_space<vmem>>
      %dma_start3A_117 = arith.constant 0 : i32
      %dma_start3A_118 = arith.constant 0 : i32
      %dma_start3A_119 = tpu.memref_slice %arg4[%dma_start3A_117, %dma_start3A_118] : memref<16384x2048xf32, #tpu.memory_space<hbm>> -> memref<16384x2048xf32, #tpu.memory_space<hbm>>
      %dma_start3A_120 = tpu.memref_slice %arg12[%dma_start3A_110] : memref<3x!tpu.dma_semaphore, #tpu.memory_space<semaphore_mem>> -> memref<1x!tpu.dma_semaphore, #tpu.memory_space<semaphore_mem>>
      %dma_start3A_121 = tpu.memref_squeeze %dma_start3A_120 : memref<1x!tpu.dma_semaphore, #tpu.memory_space<semaphore_mem>> -> memref<!tpu.dma_semaphore, #tpu.memory_space<semaphore_mem>>
      tpu.enqueue_indirect_dma source(%dma_start3A_119 : memref<16384x2048xf32, #tpu.memory_space<hbm>>) target(%dma_start3A_114 : memref<8x2048xf32, #tpu.memory_space<vmem>>) offsets(%dma_start3A_116 : memref<8xi32, #tpu.memory_space<vmem>>) semaphore(%dma_start3A_121 : memref<!tpu.dma_semaphore, #tpu.memory_space<semaphore_mem>>)
    } else {
    }
    %gt3A_68 = arith.constant 1 : i32
    %gt3A_69 = arith.cmpi sgt, %select_n3A_65, %gt3A_68 : i32
    %convert_element_type3A_70 = arith.extui %gt3A_69 : i1 to i32
    %cond3A_71 = arith.constant 0 : i32
    %cond3A_72 = arith.cmpi ne, %convert_element_type3A_70, %cond3A_71 : i32
    scf.if %cond3A_72 {
      %dma_start3A = arith.constant 1 : i32
      %dma_start3A_97 = arith.constant 1 : i32
      %dma_start3A_98 = arith.constant 0 : i32
      %dma_start3A_99 = arith.constant 0 : i32
      %dma_start3A_100 = tpu.memref_slice %arg8[%dma_start3A, %dma_start3A_98, %dma_start3A_99] : memref<3x8x2048xf32, #tpu.memory_space<vmem>> -> memref<1x8x2048xf32, #tpu.memory_space<vmem>>
      %dma_start3A_101 = tpu.memref_squeeze %dma_start3A_100 : memref<1x8x2048xf32, #tpu.memory_space<vmem>> -> memref<8x2048xf32, #tpu.memory_space<vmem>>
      %dma_start3A_102 = arith.constant 8 : i32
      %dma_start3A_103 = tpu.memref_slice %arg7[%dma_start3A_102] : memref<352xi32, #tpu.memory_space<vmem>> -> memref<8xi32, #tpu.memory_space<vmem>>
      %dma_start3A_104 = arith.constant 0 : i32
      %dma_start3A_105 = arith.constant 0 : i32
      %dma_start3A_106 = tpu.memref_slice %arg3[%dma_start3A_104, %dma_start3A_105] : memref<16384x2048xf32, #tpu.memory_space<hbm>> -> memref<16384x2048xf32, #tpu.memory_space<hbm>>
      %dma_start3A_107 = tpu.memref_slice %arg11[%dma_start3A_97] : memref<3x!tpu.dma_semaphore, #tpu.memory_space<semaphore_mem>> -> memref<1x!tpu.dma_semaphore, #tpu.memory_space<semaphore_mem>>
      %dma_start3A_108 = tpu.memref_squeeze %dma_start3A_107 : memref<1x!tpu.dma_semaphore, #tpu.memory_space<semaphore_mem>> -> memref<!tpu.dma_semaphore, #tpu.memory_space<semaphore_mem>>
      tpu.enqueue_indirect_dma source(%dma_start3A_106 : memref<16384x2048xf32, #tpu.memory_space<hbm>>) target(%dma_start3A_101 : memref<8x2048xf32, #tpu.memory_space<vmem>>) offsets(%dma_start3A_103 : memref<8xi32, #tpu.memory_space<vmem>>) semaphore(%dma_start3A_108 : memref<!tpu.dma_semaphore, #tpu.memory_space<semaphore_mem>>)
      %dma_start3A_109 = arith.constant 1 : i32
      %dma_start3A_110 = arith.constant 1 : i32
      %dma_start3A_111 = arith.constant 0 : i32
      %dma_start3A_112 = arith.constant 0 : i32
      %dma_start3A_113 = tpu.memref_slice %arg9[%dma_start3A_109, %dma_start3A_111, %dma_start3A_112] : memref<3x8x2048xf32, #tpu.memory_space<vmem>> -> memref<1x8x2048xf32, #tpu.memory_space<vmem>>
      %dma_start3A_114 = tpu.memref_squeeze %dma_start3A_113 : memref<1x8x2048xf32, #tpu.memory_space<vmem>> -> memref<8x2048xf32, #tpu.memory_space<vmem>>
      %dma_start3A_115 = arith.constant 8 : i32
      %dma_start3A_116 = tpu.memref_slice %arg7[%dma_start3A_115] : memref<352xi32, #tpu.memory_space<vmem>> -> memref<8xi32, #tpu.memory_space<vmem>>
      %dma_start3A_117 = arith.constant 0 : i32
      %dma_start3A_118 = arith.constant 0 : i32
      %dma_start3A_119 = tpu.memref_slice %arg4[%dma_start3A_117, %dma_start3A_118] : memref<16384x2048xf32, #tpu.memory_space<hbm>> -> memref<16384x2048xf32, #tpu.memory_space<hbm>>
      %dma_start3A_120 = tpu.memref_slice %arg12[%dma_start3A_110] : memref<3x!tpu.dma_semaphore, #tpu.memory_space<semaphore_mem>> -> memref<1x!tpu.dma_semaphore, #tpu.memory_space<semaphore_mem>>
      %dma_start3A_121 = tpu.memref_squeeze %dma_start3A_120 : memref<1x!tpu.dma_semaphore, #tpu.memory_space<semaphore_mem>> -> memref<!tpu.dma_semaphore, #tpu.memory_space<semaphore_mem>>
      tpu.enqueue_indirect_dma source(%dma_start3A_119 : memref<16384x2048xf32, #tpu.memory_space<hbm>>) target(%dma_start3A_114 : memref<8x2048xf32, #tpu.memory_space<vmem>>) offsets(%dma_start3A_116 : memref<8xi32, #tpu.memory_space<vmem>>) semaphore(%dma_start3A_121 : memref<!tpu.dma_semaphore, #tpu.memory_space<semaphore_mem>>)
    } else {
    }
    %broadcast_in_dim3A_73 = arith.constant 0.000000e+00 : f32
    %broadcast_in_dim3A_74 = vector.broadcast %broadcast_in_dim3A_73 : f32 to vector<16xf32>
    %broadcast_in_dim3A_75 = arith.constant 0 : i32
    %broadcast_in_dim3A_76 = vector.broadcast %broadcast_in_dim3A_75 : i32 to vector<16xi32>
    %while3A_77 = arith.constant 0 : i32
    %while3A_78 = arith.subi %select_n3A_65, %while3A_77 : i32
    %while3A_79 = arith.addi %while3A_77, %while3A_78 : i32
    %while3A_80 = arith.constant 1 : i32
    %while3A_81 = arith.divsi %while3A_78, %while3A_80 : i32
    %while3A_82 = arith.muli %while3A_81, %while3A_80 : i32
    %while3A_83 = arith.addi %while3A_77, %while3A_82 : i32
    %while3A_84 = arith.constant 1 : i32
    %while3A_85:2 = scf.for %while3A_97 = %while3A_77 to %while3A_83 step %while3A_84 iter_args(%while3A_98 = %broadcast_in_dim3A_74, %while3A_99 = %broadcast_in_dim3A_76) -> (vector<16xf32>, vector<16xi32>)  : i32 {
      %jit3A_100 = arith.constant 3 : i32
      %eq3A_101 = arith.constant 0 : i32
      %eq3A_102 = arith.cmpi eq, %jit3A_100, %eq3A_101 : i32
      %jit3A_103 = arith.constant 1 : i32
      %select_n3A_104 = arith.select %eq3A_102, %jit3A_103, %jit3A_100 : i32
      %rem3A_105 = arith.remsi %while3A_97, %select_n3A_104 : i32
      %ne3A_106 = arith.constant 0 : i32
      %ne3A_107 = arith.cmpi ne, %rem3A_105, %ne3A_106 : i32
      %lt3A = arith.constant 0 : i32
      %lt3A_108 = arith.cmpi slt, %rem3A_105, %lt3A : i32
      %lt3A_109 = arith.constant 0 : i32
      %lt3A_110 = arith.cmpi slt, %select_n3A_104, %lt3A_109 : i32
      %ne3A_111 = arith.xori %lt3A_108, %lt3A_110 : i1
      %and3A_112 = arith.andi %ne3A_111, %ne3A_107 : i1
      %add3A_113 = arith.addi %rem3A_105, %select_n3A_104 : i32
      %select_n3A_114 = arith.select %and3A_112, %add3A_113, %rem3A_105 : i32
      %add3A_115 = arith.constant 3 : i32
      %add3A_116 = arith.addi %while3A_97, %add3A_115 : i32
      %sub3A_117 = arith.constant 1 : i32
      %sub3A_118 = arith.subi %add3A_116, %sub3A_117 : i32
      %lt3A_119 = arith.cmpi slt, %sub3A_118, %select_n3A_65 : i32
      %convert_element_type3A_120 = arith.extui %lt3A_119 : i1 to i32
      %cond3A_121 = arith.constant 0 : i32
      %cond3A_122 = arith.cmpi ne, %convert_element_type3A_120, %cond3A_121 : i32
      scf.if %cond3A_122 {
        %add3A_159 = arith.constant 3 : i32
        %add3A_160 = arith.addi %while3A_97, %add3A_159 : i32
        %sub3A_161 = arith.constant 1 : i32
        %sub3A_162 = arith.subi %add3A_160, %sub3A_161 : i32
        %jit3A_163 = arith.constant 3 : i32
        %eq3A_164 = arith.constant 0 : i32
        %eq3A_165 = arith.cmpi eq, %jit3A_163, %eq3A_164 : i32
        %jit3A_166 = arith.constant 1 : i32
        %select_n3A_167 = arith.select %eq3A_165, %jit3A_166, %jit3A_163 : i32
        %rem3A_168 = arith.remsi %sub3A_162, %select_n3A_167 : i32
        %ne3A_169 = arith.constant 0 : i32
        %ne3A_170 = arith.cmpi ne, %rem3A_168, %ne3A_169 : i32
        %lt3A_171 = arith.constant 0 : i32
        %lt3A_172 = arith.cmpi slt, %rem3A_168, %lt3A_171 : i32
        %lt3A_173 = arith.constant 0 : i32
        %lt3A_174 = arith.cmpi slt, %select_n3A_167, %lt3A_173 : i32
        %ne3A_175 = arith.xori %lt3A_172, %lt3A_174 : i1
        %and3A_176 = arith.andi %ne3A_175, %ne3A_170 : i1
        %add3A_177 = arith.addi %rem3A_168, %select_n3A_167 : i32
        %select_n3A_178 = arith.select %and3A_176, %add3A_177, %rem3A_168 : i32
        %mul3A_179 = arith.constant 8 : i32
        %mul3A_180 = arith.muli %sub3A_162, %mul3A_179 : i32
        %dma_start3A = arith.constant 0 : i32
        %dma_start3A_181 = arith.constant 0 : i32
        %dma_start3A_182 = tpu.memref_slice %arg8[%select_n3A_178, %dma_start3A, %dma_start3A_181] : memref<3x8x2048xf32, #tpu.memory_space<vmem>> -> memref<1x8x2048xf32, #tpu.memory_space<vmem>>
        %dma_start3A_183 = tpu.memref_squeeze %dma_start3A_182 : memref<1x8x2048xf32, #tpu.memory_space<vmem>> -> memref<8x2048xf32, #tpu.memory_space<vmem>>
        %dma_start3A_184 = tpu.memref_slice %arg7[%mul3A_180] : memref<352xi32, #tpu.memory_space<vmem>> -> memref<8xi32, #tpu.memory_space<vmem>>
        %dma_start3A_185 = arith.constant 0 : i32
        %dma_start3A_186 = arith.constant 0 : i32
        %dma_start3A_187 = tpu.memref_slice %arg3[%dma_start3A_185, %dma_start3A_186] : memref<16384x2048xf32, #tpu.memory_space<hbm>> -> memref<16384x2048xf32, #tpu.memory_space<hbm>>
        %dma_start3A_188 = tpu.memref_slice %arg11[%select_n3A_178] : memref<3x!tpu.dma_semaphore, #tpu.memory_space<semaphore_mem>> -> memref<1x!tpu.dma_semaphore, #tpu.memory_space<semaphore_mem>>
        %dma_start3A_189 = tpu.memref_squeeze %dma_start3A_188 : memref<1x!tpu.dma_semaphore, #tpu.memory_space<semaphore_mem>> -> memref<!tpu.dma_semaphore, #tpu.memory_space<semaphore_mem>>
        tpu.enqueue_indirect_dma source(%dma_start3A_187 : memref<16384x2048xf32, #tpu.memory_space<hbm>>) target(%dma_start3A_183 : memref<8x2048xf32, #tpu.memory_space<vmem>>) offsets(%dma_start3A_184 : memref<8xi32, #tpu.memory_space<vmem>>) semaphore(%dma_start3A_189 : memref<!tpu.dma_semaphore, #tpu.memory_space<semaphore_mem>>)
        %dma_start3A_190 = arith.constant 0 : i32
        %dma_start3A_191 = arith.constant 0 : i32
        %dma_start3A_192 = tpu.memref_slice %arg9[%select_n3A_178, %dma_start3A_190, %dma_start3A_191] : memref<3x8x2048xf32, #tpu.memory_space<vmem>> -> memref<1x8x2048xf32, #tpu.memory_space<vmem>>
        %dma_start3A_193 = tpu.memref_squeeze %dma_start3A_192 : memref<1x8x2048xf32, #tpu.memory_space<vmem>> -> memref<8x2048xf32, #tpu.memory_space<vmem>>
        %dma_start3A_194 = tpu.memref_slice %arg7[%mul3A_180] : memref<352xi32, #tpu.memory_space<vmem>> -> memref<8xi32, #tpu.memory_space<vmem>>
        %dma_start3A_195 = arith.constant 0 : i32
        %dma_start3A_196 = arith.constant 0 : i32
        %dma_start3A_197 = tpu.memref_slice %arg4[%dma_start3A_195, %dma_start3A_196] : memref<16384x2048xf32, #tpu.memory_space<hbm>> -> memref<16384x2048xf32, #tpu.memory_space<hbm>>
        %dma_start3A_198 = tpu.memref_slice %arg12[%select_n3A_178] : memref<3x!tpu.dma_semaphore, #tpu.memory_space<semaphore_mem>> -> memref<1x!tpu.dma_semaphore, #tpu.memory_space<semaphore_mem>>
        %dma_start3A_199 = tpu.memref_squeeze %dma_start3A_198 : memref<1x!tpu.dma_semaphore, #tpu.memory_space<semaphore_mem>> -> memref<!tpu.dma_semaphore, #tpu.memory_space<semaphore_mem>>
        tpu.enqueue_indirect_dma source(%dma_start3A_197 : memref<16384x2048xf32, #tpu.memory_space<hbm>>) target(%dma_start3A_193 : memref<8x2048xf32, #tpu.memory_space<vmem>>) offsets(%dma_start3A_194 : memref<8xi32, #tpu.memory_space<vmem>>) semaphore(%dma_start3A_199 : memref<!tpu.dma_semaphore, #tpu.memory_space<semaphore_mem>>)
      } else {
      }
      %dma_wait3A = arith.constant 0 : i32
      %dma_wait3A_123 = arith.constant 0 : i32
      %dma_wait3A_124 = tpu.memref_slice %arg8[%select_n3A_114, %dma_wait3A, %dma_wait3A_123] : memref<3x8x2048xf32, #tpu.memory_space<vmem>> -> memref<1x8x2048xf32, #tpu.memory_space<vmem>>
      %dma_wait3A_125 = tpu.memref_squeeze %dma_wait3A_124 : memref<1x8x2048xf32, #tpu.memory_space<vmem>> -> memref<8x2048xf32, #tpu.memory_space<vmem>>
      %dma_wait3A_126 = arith.constant 0 : i32
      %dma_wait3A_127 = tpu.memref_slice %arg7[%dma_wait3A_126] : memref<352xi32, #tpu.memory_space<vmem>> -> memref<8xi32, #tpu.memory_space<vmem>>
      %dma_wait3A_128 = arith.constant 0 : i32
      %dma_wait3A_129 = arith.constant 0 : i32
      %dma_wait3A_130 = tpu.memref_slice %arg3[%dma_wait3A_128, %dma_wait3A_129] : memref<16384x2048xf32, #tpu.memory_space<hbm>> -> memref<16384x2048xf32, #tpu.memory_space<hbm>>
      %dma_wait3A_131 = tpu.memref_slice %arg11[%select_n3A_114] : memref<3x!tpu.dma_semaphore, #tpu.memory_space<semaphore_mem>> -> memref<1x!tpu.dma_semaphore, #tpu.memory_space<semaphore_mem>>
      %dma_wait3A_132 = tpu.memref_squeeze %dma_wait3A_131 : memref<1x!tpu.dma_semaphore, #tpu.memory_space<semaphore_mem>> -> memref<!tpu.dma_semaphore, #tpu.memory_space<semaphore_mem>>
      tpu.wait_indirect_dma semaphore(%dma_wait3A_132 : memref<!tpu.dma_semaphore, #tpu.memory_space<semaphore_mem>>) src(%dma_wait3A_130 : memref<16384x2048xf32, #tpu.memory_space<hbm>>) dst(%dma_wait3A_125 : memref<8x2048xf32, #tpu.memory_space<vmem>>)
      %dma_wait3A_133 = arith.constant 0 : i32
      %dma_wait3A_134 = arith.constant 0 : i32
      %dma_wait3A_135 = tpu.memref_slice %arg9[%select_n3A_114, %dma_wait3A_133, %dma_wait3A_134] : memref<3x8x2048xf32, #tpu.memory_space<vmem>> -> memref<1x8x2048xf32, #tpu.memory_space<vmem>>
      %dma_wait3A_136 = tpu.memref_squeeze %dma_wait3A_135 : memref<1x8x2048xf32, #tpu.memory_space<vmem>> -> memref<8x2048xf32, #tpu.memory_space<vmem>>
      %dma_wait3A_137 = arith.constant 0 : i32
      %dma_wait3A_138 = tpu.memref_slice %arg7[%dma_wait3A_137] : memref<352xi32, #tpu.memory_space<vmem>> -> memref<8xi32, #tpu.memory_space<vmem>>
      %dma_wait3A_139 = arith.constant 0 : i32
      %dma_wait3A_140 = arith.constant 0 : i32
      %dma_wait3A_141 = tpu.memref_slice %arg4[%dma_wait3A_139, %dma_wait3A_140] : memref<16384x2048xf32, #tpu.memory_space<hbm>> -> memref<16384x2048xf32, #tpu.memory_space<hbm>>
      %dma_wait3A_142 = tpu.memref_slice %arg12[%select_n3A_114] : memref<3x!tpu.dma_semaphore, #tpu.memory_space<semaphore_mem>> -> memref<1x!tpu.dma_semaphore, #tpu.memory_space<semaphore_mem>>
      %dma_wait3A_143 = tpu.memref_squeeze %dma_wait3A_142 : memref<1x!tpu.dma_semaphore, #tpu.memory_space<semaphore_mem>> -> memref<!tpu.dma_semaphore, #tpu.memory_space<semaphore_mem>>
      tpu.wait_indirect_dma semaphore(%dma_wait3A_143 : memref<!tpu.dma_semaphore, #tpu.memory_space<semaphore_mem>>) src(%dma_wait3A_141 : memref<16384x2048xf32, #tpu.memory_space<hbm>>) dst(%dma_wait3A_136 : memref<8x2048xf32, #tpu.memory_space<vmem>>)
      %mul3A_144 = arith.constant 8 : i32
      %mul3A_145 = arith.muli %while3A_97, %mul3A_144 : i32
      %sub3A_146 = arith.subi %while3A_36, %mul3A_145 : i32
      %min3A = arith.constant 8 : i32
      %min3A_147 = arith.minsi %sub3A_146, %min3A : i32
      %while3A_148 = arith.constant 0 : i32
      %while3A_149 = arith.subi %min3A_147, %while3A_148 : i32
      %while3A_150 = arith.addi %while3A_148, %while3A_149 : i32
      %while3A_151 = arith.constant 1 : i32
      %while3A_152 = arith.divsi %while3A_149, %while3A_151 : i32
      %while3A_153 = arith.muli %while3A_152, %while3A_151 : i32
      %while3A_154 = arith.addi %while3A_148, %while3A_153 : i32
      %while3A_155 = arith.constant 1 : i32
      %while3A_156:2 = scf.for %while3A_159 = %while3A_148 to %while3A_154 step %while3A_155 iter_args(%while3A_160 = %while3A_98, %while3A_161 = %while3A_99) -> (vector<16xf32>, vector<16xi32>)  : i32 {
        %parallel_loop3A = arith.constant 0 : i32
        %parallel_loop3A_162 = arith.constant 128 : i32
        %parallel_loop3A_163 = arith.constant 1 : i32
        %parallel_loop3A_164:2 = scf.for %parallel_loop3A_165 = %parallel_loop3A to %parallel_loop3A_162 step %parallel_loop3A_163 iter_args(%parallel_loop3A_166 = %while3A_160, %parallel_loop3A_167 = %while3A_161) -> (vector<16xf32>, vector<16xi32>)  : i32 {
          %parallel_loop3A_168 = arith.constant 16 : i32
          %parallel_loop3A_169 = arith.muli %parallel_loop3A_165, %parallel_loop3A_168 : i32
          %parallel_loop3A_170 = arith.index_cast %select_n3A_114 : i32 to index
          %parallel_loop3A_171 = arith.index_cast %while3A_159 : i32 to index
          %parallel_loop3A_172 = arith.index_cast %parallel_loop3A_169 : i32 to index
          %parallel_loop3A_173 = tpu.vector_load %arg9[%parallel_loop3A_170, %parallel_loop3A_171, %parallel_loop3A_172] {strides = array<i32>} : memref<3x8x2048xf32, #tpu.memory_space<vmem>>, vector<16xf32>,
          %parallel_loop3A_174 = arith.constant 16 : i32
          %parallel_loop3A_175 = arith.muli %parallel_loop3A_165, %parallel_loop3A_174 : i32
          %parallel_loop3A_176 = arith.index_cast %select_n3A_114 : i32 to index
          %parallel_loop3A_177 = arith.index_cast %while3A_159 : i32 to index
          %parallel_loop3A_178 = arith.index_cast %parallel_loop3A_175 : i32 to index
          %parallel_loop3A_179 = tpu.vector_load %arg8[%parallel_loop3A_176, %parallel_loop3A_177, %parallel_loop3A_178] {strides = array<i32>} : memref<3x8x2048xf32, #tpu.memory_space<vmem>>, vector<16xf32>,
          %parallel_loop3A_180 = arith.constant 0.000000e+00 : f32
          %parallel_loop3A_181 = vector.broadcast %parallel_loop3A_180 : f32 to vector<16xf32>
          %parallel_loop3A_182 = arith.cmpf one, %parallel_loop3A_173, %parallel_loop3A_181 : vector<16xf32>
          %parallel_loop3A_183 = arith.subf %parallel_loop3A_179, %parallel_loop3A_173 : vector<16xf32>
          %parallel_loop3A_184 = arith.constant 0.000000e+00 : f32
          %parallel_loop3A_185 = vector.broadcast %parallel_loop3A_184 : f32 to vector<16xf32>
          %parallel_loop3A_186 = arith.select %parallel_loop3A_182, %parallel_loop3A_183, %parallel_loop3A_185 : vector<16xi1>, vector<16xf32>
          %parallel_loop3A_187 = arith.mulf %parallel_loop3A_186, %parallel_loop3A_186 : vector<16xf32>
          %parallel_loop3A_188 = arith.addf %parallel_loop3A_166, %parallel_loop3A_187 : vector<16xf32>
          %parallel_loop3A_189 = tpu.all_reduce %parallel_loop3A_182 {dim = 0 : i64, kind = #tpu.reduction_kind<sum>} : vector<16xi1> -> vector<16xi32>
          %parallel_loop3A_190 = arith.addi %parallel_loop3A_167, %parallel_loop3A_189 : vector<16xi32>
          scf.yield %parallel_loop3A_188, %parallel_loop3A_190 : vector<16xf32>, vector<16xi32>
        } {sc.loop_unroll_factor = 8 : i64, sc.parallel_access}
        scf.yield %parallel_loop3A_164#0, %parallel_loop3A_164#1 : vector<16xf32>, vector<16xi32>
      }
      %while3A_157 = arith.constant 1 : i32
      %while3A_158:2 = scf.for %while3A_159 = %while3A_154 to %while3A_150 step %while3A_157 iter_args(%while3A_160 = %while3A_156#0, %while3A_161 = %while3A_156#1) -> (vector<16xf32>, vector<16xi32>)  : i32 {
        %parallel_loop3A = arith.constant 0 : i32
        %parallel_loop3A_162 = arith.constant 128 : i32
        %parallel_loop3A_163 = arith.constant 1 : i32
        %parallel_loop3A_164:2 = scf.for %parallel_loop3A_165 = %parallel_loop3A to %parallel_loop3A_162 step %parallel_loop3A_163 iter_args(%parallel_loop3A_166 = %while3A_160, %parallel_loop3A_167 = %while3A_161) -> (vector<16xf32>, vector<16xi32>)  : i32 {
          %parallel_loop3A_168 = arith.constant 16 : i32
          %parallel_loop3A_169 = arith.muli %parallel_loop3A_165, %parallel_loop3A_168 : i32
          %parallel_loop3A_170 = arith.index_cast %select_n3A_114 : i32 to index
          %parallel_loop3A_171 = arith.index_cast %while3A_159 : i32 to index
          %parallel_loop3A_172 = arith.index_cast %parallel_loop3A_169 : i32 to index
          %parallel_loop3A_173 = tpu.vector_load %arg9[%parallel_loop3A_170, %parallel_loop3A_171, %parallel_loop3A_172] {strides = array<i32>} : memref<3x8x2048xf32, #tpu.memory_space<vmem>>, vector<16xf32>,
          %parallel_loop3A_174 = arith.constant 16 : i32
          %parallel_loop3A_175 = arith.muli %parallel_loop3A_165, %parallel_loop3A_174 : i32
          %parallel_loop3A_176 = arith.index_cast %select_n3A_114 : i32 to index
          %parallel_loop3A_177 = arith.index_cast %while3A_159 : i32 to index
          %parallel_loop3A_178 = arith.index_cast %parallel_loop3A_175 : i32 to index
          %parallel_loop3A_179 = tpu.vector_load %arg8[%parallel_loop3A_176, %parallel_loop3A_177, %parallel_loop3A_178] {strides = array<i32>} : memref<3x8x2048xf32, #tpu.memory_space<vmem>>, vector<16xf32>,
          %parallel_loop3A_180 = arith.constant 0.000000e+00 : f32
          %parallel_loop3A_181 = vector.broadcast %parallel_loop3A_180 : f32 to vector<16xf32>
          %parallel_loop3A_182 = arith.cmpf one, %parallel_loop3A_173, %parallel_loop3A_181 : vector<16xf32>
          %parallel_loop3A_183 = arith.subf %parallel_loop3A_179, %parallel_loop3A_173 : vector<16xf32>
          %parallel_loop3A_184 = arith.constant 0.000000e+00 : f32
          %parallel_loop3A_185 = vector.broadcast %parallel_loop3A_184 : f32 to vector<16xf32>
          %parallel_loop3A_186 = arith.select %parallel_loop3A_182, %parallel_loop3A_183, %parallel_loop3A_185 : vector<16xi1>, vector<16xf32>
          %parallel_loop3A_187 = arith.mulf %parallel_loop3A_186, %parallel_loop3A_186 : vector<16xf32>
          %parallel_loop3A_188 = arith.addf %parallel_loop3A_166, %parallel_loop3A_187 : vector<16xf32>
          %parallel_loop3A_189 = tpu.all_reduce %parallel_loop3A_182 {dim = 0 : i64, kind = #tpu.reduction_kind<sum>} : vector<16xi1> -> vector<16xi32>
          %parallel_loop3A_190 = arith.addi %parallel_loop3A_167, %parallel_loop3A_189 : vector<16xi32>
          scf.yield %parallel_loop3A_188, %parallel_loop3A_190 : vector<16xf32>, vector<16xi32>
        } {sc.loop_unroll_factor = 8 : i64, sc.parallel_access}
        scf.yield %parallel_loop3A_164#0, %parallel_loop3A_164#1 : vector<16xf32>, vector<16xi32>
      }
      scf.yield %while3A_158#0, %while3A_158#1 : vector<16xf32>, vector<16xi32>
    }
    %while3A_86 = arith.constant 1 : i32
    %while3A_87:2 = scf.for %while3A_97 = %while3A_83 to %while3A_79 step %while3A_86 iter_args(%while3A_98 = %while3A_85#0, %while3A_99 = %while3A_85#1) -> (vector<16xf32>, vector<16xi32>)  : i32 {
      %jit3A_100 = arith.constant 3 : i32
      %eq3A_101 = arith.constant 0 : i32
      %eq3A_102 = arith.cmpi eq, %jit3A_100, %eq3A_101 : i32
      %jit3A_103 = arith.constant 1 : i32
      %select_n3A_104 = arith.select %eq3A_102, %jit3A_103, %jit3A_100 : i32
      %rem3A_105 = arith.remsi %while3A_97, %select_n3A_104 : i32
      %ne3A_106 = arith.constant 0 : i32
      %ne3A_107 = arith.cmpi ne, %rem3A_105, %ne3A_106 : i32
      %lt3A = arith.constant 0 : i32
      %lt3A_108 = arith.cmpi slt, %rem3A_105, %lt3A : i32
      %lt3A_109 = arith.constant 0 : i32
      %lt3A_110 = arith.cmpi slt, %select_n3A_104, %lt3A_109 : i32
      %ne3A_111 = arith.xori %lt3A_108, %lt3A_110 : i1
      %and3A_112 = arith.andi %ne3A_111, %ne3A_107 : i1
      %add3A_113 = arith.addi %rem3A_105, %select_n3A_104 : i32
      %select_n3A_114 = arith.select %and3A_112, %add3A_113, %rem3A_105 : i32
      %add3A_115 = arith.constant 3 : i32
      %add3A_116 = arith.addi %while3A_97, %add3A_115 : i32
      %sub3A_117 = arith.constant 1 : i32
      %sub3A_118 = arith.subi %add3A_116, %sub3A_117 : i32
      %lt3A_119 = arith.cmpi slt, %sub3A_118, %select_n3A_65 : i32
      %convert_element_type3A_120 = arith.extui %lt3A_119 : i1 to i32
      %cond3A_121 = arith.constant 0 : i32
      %cond3A_122 = arith.cmpi ne, %convert_element_type3A_120, %cond3A_121 : i32
      scf.if %cond3A_122 {
        %add3A_159 = arith.constant 3 : i32
        %add3A_160 = arith.addi %while3A_97, %add3A_159 : i32
        %sub3A_161 = arith.constant 1 : i32
        %sub3A_162 = arith.subi %add3A_160, %sub3A_161 : i32
        %jit3A_163 = arith.constant 3 : i32
        %eq3A_164 = arith.constant 0 : i32
        %eq3A_165 = arith.cmpi eq, %jit3A_163, %eq3A_164 : i32
        %jit3A_166 = arith.constant 1 : i32
        %select_n3A_167 = arith.select %eq3A_165, %jit3A_166, %jit3A_163 : i32
        %rem3A_168 = arith.remsi %sub3A_162, %select_n3A_167 : i32
        %ne3A_169 = arith.constant 0 : i32
        %ne3A_170 = arith.cmpi ne, %rem3A_168, %ne3A_169 : i32
        %lt3A_171 = arith.constant 0 : i32
        %lt3A_172 = arith.cmpi slt, %rem3A_168, %lt3A_171 : i32
        %lt3A_173 = arith.constant 0 : i32
        %lt3A_174 = arith.cmpi slt, %select_n3A_167, %lt3A_173 : i32
        %ne3A_175 = arith.xori %lt3A_172, %lt3A_174 : i1
        %and3A_176 = arith.andi %ne3A_175, %ne3A_170 : i1
        %add3A_177 = arith.addi %rem3A_168, %select_n3A_167 : i32
        %select_n3A_178 = arith.select %and3A_176, %add3A_177, %rem3A_168 : i32
        %mul3A_179 = arith.constant 8 : i32
        %mul3A_180 = arith.muli %sub3A_162, %mul3A_179 : i32
        %dma_start3A = arith.constant 0 : i32
        %dma_start3A_181 = arith.constant 0 : i32
        %dma_start3A_182 = tpu.memref_slice %arg8[%select_n3A_178, %dma_start3A, %dma_start3A_181] : memref<3x8x2048xf32, #tpu.memory_space<vmem>> -> memref<1x8x2048xf32, #tpu.memory_space<vmem>>
        %dma_start3A_183 = tpu.memref_squeeze %dma_start3A_182 : memref<1x8x2048xf32, #tpu.memory_space<vmem>> -> memref<8x2048xf32, #tpu.memory_space<vmem>>
        %dma_start3A_184 = tpu.memref_slice %arg7[%mul3A_180] : memref<352xi32, #tpu.memory_space<vmem>> -> memref<8xi32, #tpu.memory_space<vmem>>
        %dma_start3A_185 = arith.constant 0 : i32
        %dma_start3A_186 = arith.constant 0 : i32
        %dma_start3A_187 = tpu.memref_slice %arg3[%dma_start3A_185, %dma_start3A_186] : memref<16384x2048xf32, #tpu.memory_space<hbm>> -> memref<16384x2048xf32, #tpu.memory_space<hbm>>
        %dma_start3A_188 = tpu.memref_slice %arg11[%select_n3A_178] : memref<3x!tpu.dma_semaphore, #tpu.memory_space<semaphore_mem>> -> memref<1x!tpu.dma_semaphore, #tpu.memory_space<semaphore_mem>>
        %dma_start3A_189 = tpu.memref_squeeze %dma_start3A_188 : memref<1x!tpu.dma_semaphore, #tpu.memory_space<semaphore_mem>> -> memref<!tpu.dma_semaphore, #tpu.memory_space<semaphore_mem>>
        tpu.enqueue_indirect_dma source(%dma_start3A_187 : memref<16384x2048xf32, #tpu.memory_space<hbm>>) target(%dma_start3A_183 : memref<8x2048xf32, #tpu.memory_space<vmem>>) offsets(%dma_start3A_184 : memref<8xi32, #tpu.memory_space<vmem>>) semaphore(%dma_start3A_189 : memref<!tpu.dma_semaphore, #tpu.memory_space<semaphore_mem>>)
        %dma_start3A_190 = arith.constant 0 : i32
        %dma_start3A_191 = arith.constant 0 : i32
        %dma_start3A_192 = tpu.memref_slice %arg9[%select_n3A_178, %dma_start3A_190, %dma_start3A_191] : memref<3x8x2048xf32, #tpu.memory_space<vmem>> -> memref<1x8x2048xf32, #tpu.memory_space<vmem>>
        %dma_start3A_193 = tpu.memref_squeeze %dma_start3A_192 : memref<1x8x2048xf32, #tpu.memory_space<vmem>> -> memref<8x2048xf32, #tpu.memory_space<vmem>>
        %dma_start3A_194 = tpu.memref_slice %arg7[%mul3A_180] : memref<352xi32, #tpu.memory_space<vmem>> -> memref<8xi32, #tpu.memory_space<vmem>>
        %dma_start3A_195 = arith.constant 0 : i32
        %dma_start3A_196 = arith.constant 0 : i32
        %dma_start3A_197 = tpu.memref_slice %arg4[%dma_start3A_195, %dma_start3A_196] : memref<16384x2048xf32, #tpu.memory_space<hbm>> -> memref<16384x2048xf32, #tpu.memory_space<hbm>>
        %dma_start3A_198 = tpu.memref_slice %arg12[%select_n3A_178] : memref<3x!tpu.dma_semaphore, #tpu.memory_space<semaphore_mem>> -> memref<1x!tpu.dma_semaphore, #tpu.memory_space<semaphore_mem>>
        %dma_start3A_199 = tpu.memref_squeeze %dma_start3A_198 : memref<1x!tpu.dma_semaphore, #tpu.memory_space<semaphore_mem>> -> memref<!tpu.dma_semaphore, #tpu.memory_space<semaphore_mem>>
        tpu.enqueue_indirect_dma source(%dma_start3A_197 : memref<16384x2048xf32, #tpu.memory_space<hbm>>) target(%dma_start3A_193 : memref<8x2048xf32, #tpu.memory_space<vmem>>) offsets(%dma_start3A_194 : memref<8xi32, #tpu.memory_space<vmem>>) semaphore(%dma_start3A_199 : memref<!tpu.dma_semaphore, #tpu.memory_space<semaphore_mem>>)
      } else {
      }
      %dma_wait3A = arith.constant 0 : i32
      %dma_wait3A_123 = arith.constant 0 : i32
      %dma_wait3A_124 = tpu.memref_slice %arg8[%select_n3A_114, %dma_wait3A, %dma_wait3A_123] : memref<3x8x2048xf32, #tpu.memory_space<vmem>> -> memref<1x8x2048xf32, #tpu.memory_space<vmem>>
      %dma_wait3A_125 = tpu.memref_squeeze %dma_wait3A_124 : memref<1x8x2048xf32, #tpu.memory_space<vmem>> -> memref<8x2048xf32, #tpu.memory_space<vmem>>
      %dma_wait3A_126 = arith.constant 0 : i32
      %dma_wait3A_127 = tpu.memref_slice %arg7[%dma_wait3A_126] : memref<352xi32, #tpu.memory_space<vmem>> -> memref<8xi32, #tpu.memory_space<vmem>>
      %dma_wait3A_128 = arith.constant 0 : i32
      %dma_wait3A_129 = arith.constant 0 : i32
      %dma_wait3A_130 = tpu.memref_slice %arg3[%dma_wait3A_128, %dma_wait3A_129] : memref<16384x2048xf32, #tpu.memory_space<hbm>> -> memref<16384x2048xf32, #tpu.memory_space<hbm>>
      %dma_wait3A_131 = tpu.memref_slice %arg11[%select_n3A_114] : memref<3x!tpu.dma_semaphore, #tpu.memory_space<semaphore_mem>> -> memref<1x!tpu.dma_semaphore, #tpu.memory_space<semaphore_mem>>
      %dma_wait3A_132 = tpu.memref_squeeze %dma_wait3A_131 : memref<1x!tpu.dma_semaphore, #tpu.memory_space<semaphore_mem>> -> memref<!tpu.dma_semaphore, #tpu.memory_space<semaphore_mem>>
      tpu.wait_indirect_dma semaphore(%dma_wait3A_132 : memref<!tpu.dma_semaphore, #tpu.memory_space<semaphore_mem>>) src(%dma_wait3A_130 : memref<16384x2048xf32, #tpu.memory_space<hbm>>) dst(%dma_wait3A_125 : memref<8x2048xf32, #tpu.memory_space<vmem>>)
      %dma_wait3A_133 = arith.constant 0 : i32
      %dma_wait3A_134 = arith.constant 0 : i32
      %dma_wait3A_135 = tpu.memref_slice %arg9[%select_n3A_114, %dma_wait3A_133, %dma_wait3A_134] : memref<3x8x2048xf32, #tpu.memory_space<vmem>> -> memref<1x8x2048xf32, #tpu.memory_space<vmem>>
      %dma_wait3A_136 = tpu.memref_squeeze %dma_wait3A_135 : memref<1x8x2048xf32, #tpu.memory_space<vmem>> -> memref<8x2048xf32, #tpu.memory_space<vmem>>
      %dma_wait3A_137 = arith.constant 0 : i32
      %dma_wait3A_138 = tpu.memref_slice %arg7[%dma_wait3A_137] : memref<352xi32, #tpu.memory_space<vmem>> -> memref<8xi32, #tpu.memory_space<vmem>>
      %dma_wait3A_139 = arith.constant 0 : i32
      %dma_wait3A_140 = arith.constant 0 : i32
      %dma_wait3A_141 = tpu.memref_slice %arg4[%dma_wait3A_139, %dma_wait3A_140] : memref<16384x2048xf32, #tpu.memory_space<hbm>> -> memref<16384x2048xf32, #tpu.memory_space<hbm>>
      %dma_wait3A_142 = tpu.memref_slice %arg12[%select_n3A_114] : memref<3x!tpu.dma_semaphore, #tpu.memory_space<semaphore_mem>> -> memref<1x!tpu.dma_semaphore, #tpu.memory_space<semaphore_mem>>
      %dma_wait3A_143 = tpu.memref_squeeze %dma_wait3A_142 : memref<1x!tpu.dma_semaphore, #tpu.memory_space<semaphore_mem>> -> memref<!tpu.dma_semaphore, #tpu.memory_space<semaphore_mem>>
      tpu.wait_indirect_dma semaphore(%dma_wait3A_143 : memref<!tpu.dma_semaphore, #tpu.memory_space<semaphore_mem>>) src(%dma_wait3A_141 : memref<16384x2048xf32, #tpu.memory_space<hbm>>) dst(%dma_wait3A_136 : memref<8x2048xf32, #tpu.memory_space<vmem>>)
      %mul3A_144 = arith.constant 8 : i32
      %mul3A_145 = arith.muli %while3A_97, %mul3A_144 : i32
      %sub3A_146 = arith.subi %while3A_36, %mul3A_145 : i32
      %min3A = arith.constant 8 : i32
      %min3A_147 = arith.minsi %sub3A_146, %min3A : i32
      %while3A_148 = arith.constant 0 : i32
      %while3A_149 = arith.subi %min3A_147, %while3A_148 : i32
      %while3A_150 = arith.addi %while3A_148, %while3A_149 : i32
      %while3A_151 = arith.constant 1 : i32
      %while3A_152 = arith.divsi %while3A_149, %while3A_151 : i32
      %while3A_153 = arith.muli %while3A_152, %while3A_151 : i32
      %while3A_154 = arith.addi %while3A_148, %while3A_153 : i32
      %while3A_155 = arith.constant 1 : i32
      %while3A_156:2 = scf.for %while3A_159 = %while3A_148 to %while3A_154 step %while3A_155 iter_args(%while3A_160 = %while3A_98, %while3A_161 = %while3A_99) -> (vector<16xf32>, vector<16xi32>)  : i32 {
        %parallel_loop3A = arith.constant 0 : i32
        %parallel_loop3A_162 = arith.constant 128 : i32
        %parallel_loop3A_163 = arith.constant 1 : i32
        %parallel_loop3A_164:2 = scf.for %parallel_loop3A_165 = %parallel_loop3A to %parallel_loop3A_162 step %parallel_loop3A_163 iter_args(%parallel_loop3A_166 = %while3A_160, %parallel_loop3A_167 = %while3A_161) -> (vector<16xf32>, vector<16xi32>)  : i32 {
          %parallel_loop3A_168 = arith.constant 16 : i32
          %parallel_loop3A_169 = arith.muli %parallel_loop3A_165, %parallel_loop3A_168 : i32
          %parallel_loop3A_170 = arith.index_cast %select_n3A_114 : i32 to index
          %parallel_loop3A_171 = arith.index_cast %while3A_159 : i32 to index
          %parallel_loop3A_172 = arith.index_cast %parallel_loop3A_169 : i32 to index
          %parallel_loop3A_173 = tpu.vector_load %arg9[%parallel_loop3A_170, %parallel_loop3A_171, %parallel_loop3A_172] {strides = array<i32>} : memref<3x8x2048xf32, #tpu.memory_space<vmem>>, vector<16xf32>,
          %parallel_loop3A_174 = arith.constant 16 : i32
          %parallel_loop3A_175 = arith.muli %parallel_loop3A_165, %parallel_loop3A_174 : i32
          %parallel_loop3A_176 = arith.index_cast %select_n3A_114 : i32 to index
          %parallel_loop3A_177 = arith.index_cast %while3A_159 : i32 to index
          %parallel_loop3A_178 = arith.index_cast %parallel_loop3A_175 : i32 to index
          %parallel_loop3A_179 = tpu.vector_load %arg8[%parallel_loop3A_176, %parallel_loop3A_177, %parallel_loop3A_178] {strides = array<i32>} : memref<3x8x2048xf32, #tpu.memory_space<vmem>>, vector<16xf32>,
          %parallel_loop3A_180 = arith.constant 0.000000e+00 : f32
          %parallel_loop3A_181 = vector.broadcast %parallel_loop3A_180 : f32 to vector<16xf32>
          %parallel_loop3A_182 = arith.cmpf one, %parallel_loop3A_173, %parallel_loop3A_181 : vector<16xf32>
          %parallel_loop3A_183 = arith.subf %parallel_loop3A_179, %parallel_loop3A_173 : vector<16xf32>
          %parallel_loop3A_184 = arith.constant 0.000000e+00 : f32
          %parallel_loop3A_185 = vector.broadcast %parallel_loop3A_184 : f32 to vector<16xf32>
          %parallel_loop3A_186 = arith.select %parallel_loop3A_182, %parallel_loop3A_183, %parallel_loop3A_185 : vector<16xi1>, vector<16xf32>
          %parallel_loop3A_187 = arith.mulf %parallel_loop3A_186, %parallel_loop3A_186 : vector<16xf32>
          %parallel_loop3A_188 = arith.addf %parallel_loop3A_166, %parallel_loop3A_187 : vector<16xf32>
          %parallel_loop3A_189 = tpu.all_reduce %parallel_loop3A_182 {dim = 0 : i64, kind = #tpu.reduction_kind<sum>} : vector<16xi1> -> vector<16xi32>
          %parallel_loop3A_190 = arith.addi %parallel_loop3A_167, %parallel_loop3A_189 : vector<16xi32>
          scf.yield %parallel_loop3A_188, %parallel_loop3A_190 : vector<16xf32>, vector<16xi32>
        } {sc.loop_unroll_factor = 8 : i64, sc.parallel_access}
        scf.yield %parallel_loop3A_164#0, %parallel_loop3A_164#1 : vector<16xf32>, vector<16xi32>
      }
      %while3A_157 = arith.constant 1 : i32
      %while3A_158:2 = scf.for %while3A_159 = %while3A_154 to %while3A_150 step %while3A_157 iter_args(%while3A_160 = %while3A_156#0, %while3A_161 = %while3A_156#1) -> (vector<16xf32>, vector<16xi32>)  : i32 {
        %parallel_loop3A = arith.constant 0 : i32
        %parallel_loop3A_162 = arith.constant 128 : i32
        %parallel_loop3A_163 = arith.constant 1 : i32
        %parallel_loop3A_164:2 = scf.for %parallel_loop3A_165 = %parallel_loop3A to %parallel_loop3A_162 step %parallel_loop3A_163 iter_args(%parallel_loop3A_166 = %while3A_160, %parallel_loop3A_167 = %while3A_161) -> (vector<16xf32>, vector<16xi32>)  : i32 {
          %parallel_loop3A_168 = arith.constant 16 : i32
          %parallel_loop3A_169 = arith.muli %parallel_loop3A_165, %parallel_loop3A_168 : i32
          %parallel_loop3A_170 = arith.index_cast %select_n3A_114 : i32 to index
          %parallel_loop3A_171 = arith.index_cast %while3A_159 : i32 to index
          %parallel_loop3A_172 = arith.index_cast %parallel_loop3A_169 : i32 to index
          %parallel_loop3A_173 = tpu.vector_load %arg9[%parallel_loop3A_170, %parallel_loop3A_171, %parallel_loop3A_172] {strides = array<i32>} : memref<3x8x2048xf32, #tpu.memory_space<vmem>>, vector<16xf32>,
          %parallel_loop3A_174 = arith.constant 16 : i32
          %parallel_loop3A_175 = arith.muli %parallel_loop3A_165, %parallel_loop3A_174 : i32
          %parallel_loop3A_176 = arith.index_cast %select_n3A_114 : i32 to index
          %parallel_loop3A_177 = arith.index_cast %while3A_159 : i32 to index
          %parallel_loop3A_178 = arith.index_cast %parallel_loop3A_175 : i32 to index
          %parallel_loop3A_179 = tpu.vector_load %arg8[%parallel_loop3A_176, %parallel_loop3A_177, %parallel_loop3A_178] {strides = array<i32>} : memref<3x8x2048xf32, #tpu.memory_space<vmem>>, vector<16xf32>,
          %parallel_loop3A_180 = arith.constant 0.000000e+00 : f32
          %parallel_loop3A_181 = vector.broadcast %parallel_loop3A_180 : f32 to vector<16xf32>
          %parallel_loop3A_182 = arith.cmpf one, %parallel_loop3A_173, %parallel_loop3A_181 : vector<16xf32>
          %parallel_loop3A_183 = arith.subf %parallel_loop3A_179, %parallel_loop3A_173 : vector<16xf32>
          %parallel_loop3A_184 = arith.constant 0.000000e+00 : f32
          %parallel_loop3A_185 = vector.broadcast %parallel_loop3A_184 : f32 to vector<16xf32>
          %parallel_loop3A_186 = arith.select %parallel_loop3A_182, %parallel_loop3A_183, %parallel_loop3A_185 : vector<16xi1>, vector<16xf32>
          %parallel_loop3A_187 = arith.mulf %parallel_loop3A_186, %parallel_loop3A_186 : vector<16xf32>
          %parallel_loop3A_188 = arith.addf %parallel_loop3A_166, %parallel_loop3A_187 : vector<16xf32>
          %parallel_loop3A_189 = tpu.all_reduce %parallel_loop3A_182 {dim = 0 : i64, kind = #tpu.reduction_kind<sum>} : vector<16xi1> -> vector<16xi32>
          %parallel_loop3A_190 = arith.addi %parallel_loop3A_167, %parallel_loop3A_189 : vector<16xi32>
          scf.yield %parallel_loop3A_188, %parallel_loop3A_190 : vector<16xf32>, vector<16xi32>
        } {sc.loop_unroll_factor = 8 : i64, sc.parallel_access}
        scf.yield %parallel_loop3A_164#0, %parallel_loop3A_164#1 : vector<16xf32>, vector<16xi32>
      }
      scf.yield %while3A_158#0, %while3A_158#1 : vector<16xf32>, vector<16xi32>
    }
    %swap3A_88 = arith.constant 0 : i32
    %swap3A_89 = arith.index_cast %swap3A_88 : i32 to index
    %swap3A_90 = arith.constant 0 : index
    %swap3A_91 = tpu.vector_load %arg10[%swap3A_89, %swap3A_90] {strides = array<i32>} : memref<2x16xf32, #tpu.memory_space<vmem>>, vector<16xf32>,
    tpu.vector_store %arg10[%swap3A_89, %swap3A_90], %while3A_87#0 {strides = array<i32>} : memref<2x16xf32, #tpu.memory_space<vmem>>, vector<16xf32>,
    %convert_element_type3A_92 = arith.sitofp %while3A_87#1 : vector<16xi32> to vector<16xf32>
    %swap3A_93 = arith.constant 1 : i32
    %swap3A_94 = arith.index_cast %swap3A_93 : i32 to index
    %swap3A_95 = arith.constant 0 : index
    %swap3A_96 = tpu.vector_load %arg10[%swap3A_94, %swap3A_95] {strides = array<i32>} : memref<2x16xf32, #tpu.memory_space<vmem>>, vector<16xf32>,
    tpu.vector_store %arg10[%swap3A_94, %swap3A_95], %convert_element_type3A_92 {strides = array<i32>} : memref<2x16xf32, #tpu.memory_space<vmem>>, vector<16xf32>,
    "tpu.region"() ({
      %run_scoped3A = tpu.sem_alloc : memref<!tpu.dma_semaphore, #tpu.memory_space<semaphore_mem>>
      %dma_start3A = arith.constant 0 : i32
      %dma_start3A_97 = arith.constant 0 : i32
      %dma_start3A_98 = tpu.memref_slice %arg5[%add3A, %dma_start3A, %dma_start3A_97] : memref<32x2x16xf32, #tpu.memory_space<hbm>> -> memref<1x2x16xf32, #tpu.memory_space<hbm>>
      %dma_start3A_99 = tpu.memref_squeeze %dma_start3A_98 : memref<1x2x16xf32, #tpu.memory_space<hbm>> -> memref<2x16xf32, #tpu.memory_space<hbm>>
      %dma_start3A_100 = arith.constant 0 : i32
      %dma_start3A_101 = arith.constant 0 : i32
      %dma_start3A_102 = tpu.memref_slice %arg5[%add3A, %dma_start3A_100, %dma_start3A_101] : memref<32x2x16xf32, #tpu.memory_space<hbm>> -> memref<1x2x16xf32, #tpu.memory_space<hbm>>
      %dma_start3A_103 = tpu.memref_squeeze %dma_start3A_102 : memref<1x2x16xf32, #tpu.memory_space<hbm>> -> memref<2x16xf32, #tpu.memory_space<hbm>>
      tpu.enqueue_dma source(%arg10 : memref<2x16xf32, #tpu.memory_space<vmem>>) target(%dma_start3A_103 : memref<2x16xf32, #tpu.memory_space<hbm>>) target_semaphore(%run_scoped3A : memref<!tpu.dma_semaphore, #tpu.memory_space<semaphore_mem>>)
      %dma_wait3A = arith.constant 0 : i32
      %dma_wait3A_104 = arith.constant 0 : i32
      %dma_wait3A_105 = tpu.memref_slice %arg5[%add3A, %dma_wait3A, %dma_wait3A_104] : memref<32x2x16xf32, #tpu.memory_space<hbm>> -> memref<1x2x16xf32, #tpu.memory_space<hbm>>
      %dma_wait3A_106 = tpu.memref_squeeze %dma_wait3A_105 : memref<1x2x16xf32, #tpu.memory_space<hbm>> -> memref<2x16xf32, #tpu.memory_space<hbm>>
      %dma_wait3A_107 = arith.constant 0 : i32
      %dma_wait3A_108 = arith.constant 0 : i32
      %dma_wait3A_109 = tpu.memref_slice %arg5[%add3A, %dma_wait3A_107, %dma_wait3A_108] : memref<32x2x16xf32, #tpu.memory_space<hbm>> -> memref<1x2x16xf32, #tpu.memory_space<hbm>>
      %dma_wait3A_110 = tpu.memref_squeeze %dma_wait3A_109 : memref<1x2x16xf32, #tpu.memory_space<hbm>> -> memref<2x16xf32, #tpu.memory_space<hbm>>
      tpu.wait_dma2 semaphore(%run_scoped3A : memref<!tpu.dma_semaphore, #tpu.memory_space<semaphore_mem>>) src(%arg10 : memref<2x16xf32, #tpu.memory_space<vmem>>) dst(%dma_wait3A_110 : memref<2x16xf32, #tpu.memory_space<hbm>>)
      tpu.yield
    }) : () -> ()
    return
  }
}

module attributes {stable_mosaic.version = 14 : i64} {
  func.func @_tc_final(%arg0: memref<32x2x16xf32, #tpu.memory_space<vmem>>, %arg1: memref<1x2xf32, #tpu.memory_space<smem>>, %arg2: memref<1x1xf32, #tpu.memory_space<smem>>) attributes {dimension_semantics = [], scalar_prefetch = 0 : i64, scratch_operands = 0 : i64, tpu.core_type = #tpu.core_type<tc>} {
    %get3A = arith.constant 0 : index
    %get3A_0 = arith.constant 0 : index
    %get3A_1 = arith.constant 0 : index
    %get3A_2 = vector.load %arg0[%get3A, %get3A_0, %get3A_1] : memref<32x2x16xf32, #tpu.memory_space<vmem>>, vector<32x2x16xf32>
    %slice3A = vector.extract_strided_slice %get3A_2 {offsets = [0, 0, 0], sizes = [32, 1, 16], strides = [1, 1, 1]} : vector<32x2x16xf32> to vector<32x1x16xf32>
    %squeeze3A = vector.shape_cast %slice3A : vector<32x1x16xf32> to vector<32x16xf32>
    %reduce_sum3A = vector.shape_cast %squeeze3A : vector<32x16xf32> to vector<1x32x16xf32>
    %reduce_sum3A_3 = arith.constant dense<0.000000e+00> : vector<1xf32>
    %reduce_sum3A_4 = vector.multi_reduction <add>, %reduce_sum3A, %reduce_sum3A_3 [1, 2] : vector<1x32x16xf32> to vector<1xf32>
    %reduce_sum3A_5 = vector.shape_cast %reduce_sum3A_4 : vector<1xf32> to vector<1x1x1xf32>
    %reduce_sum3A_6 = vector.extract %reduce_sum3A_5[0, 0, 0] : f32 from vector<1x1x1xf32>
    %get3A_7 = arith.constant 0 : index
    %get3A_8 = arith.constant 0 : index
    %get3A_9 = memref.load %arg1[%get3A_7, %get3A_8] : memref<1x2xf32, #tpu.memory_space<smem>>
    %add3A = arith.addf %reduce_sum3A_6, %get3A_9 : f32
    %slice3A_10 = vector.extract_strided_slice %get3A_2 {offsets = [0, 1, 0], sizes = [32, 1, 16], strides = [1, 1, 1]} : vector<32x2x16xf32> to vector<32x1x16xf32>
    %squeeze3A_11 = vector.shape_cast %slice3A_10 : vector<32x1x16xf32> to vector<32x16xf32>
    %reduce_sum3A_12 = vector.shape_cast %squeeze3A_11 : vector<32x16xf32> to vector<1x32x16xf32>
    %reduce_sum3A_13 = arith.constant dense<0.000000e+00> : vector<1xf32>
    %reduce_sum3A_14 = vector.multi_reduction <add>, %reduce_sum3A_12, %reduce_sum3A_13 [1, 2] : vector<1x32x16xf32> to vector<1xf32>
    %reduce_sum3A_15 = vector.shape_cast %reduce_sum3A_14 : vector<1xf32> to vector<1x1x1xf32>
    %reduce_sum3A_16 = vector.extract %reduce_sum3A_15[0, 0, 0] : f32 from vector<1x1x1xf32>
    %div3A = arith.constant 1.600000e+01 : f32
    %div3A_17 = arith.divf %reduce_sum3A_16, %div3A : f32
    %get3A_18 = arith.constant 0 : index
    %get3A_19 = arith.constant 1 : index
    %get3A_20 = memref.load %arg1[%get3A_18, %get3A_19] : memref<1x2xf32, #tpu.memory_space<smem>>
    %add3A_21 = arith.addf %div3A_17, %get3A_20 : f32
    %div3A_22 = arith.divf %add3A, %add3A_21 : f32
    %add3A_23 = arith.constant 9.99999997E-7 : f32
    %add3A_24 = arith.addf %div3A_22, %add3A_23 : f32
    %sqrt3A = math.sqrt %add3A_24 : f32
    %swap3A = arith.constant 0 : index
    %swap3A_25 = arith.constant 0 : index
    %swap3A_26 = memref.load %arg2[%swap3A, %swap3A_25] : memref<1x1xf32, #tpu.memory_space<smem>>
    memref.store %sqrt3A, %arg2[%swap3A, %swap3A_25] : memref<1x1xf32, #tpu.memory_space<smem>>
    return
  }
}

module attributes {stable_mosaic.version = 14 : i64} {
  func.func @_tc_dense(%arg0: i32, %arg1: memref<1x1x256xf32, #tpu.memory_space<vmem>>, %arg2: memref<256x2048xf32, #tpu.memory_space<vmem>>, %arg3: memref<256x2048xf32, #tpu.memory_space<vmem>>, %arg4: memref<1x2xf32, #tpu.memory_space<smem>>, %arg5: memref<1x1xf32, #tpu.memory_space<smem>>, %arg6: memref<1x1xf32, #tpu.memory_space<smem>>) attributes {dimension_semantics = [#tpu.dimension_semantics<arbitrary>], iteration_bounds = array<i64: 24>, scalar_prefetch = 0 : i64, scratch_operands = 2 : i64, tpu.core_type = #tpu.core_type<tc>, window_params = [{transform_indices = @transform_0, window_bounds = array<i64: 1, 1, 256>}, {transform_indices = @transform_1, window_bounds = array<i64: 256, 2048>}, {transform_indices = @transform_2, window_bounds = array<i64: 256, 2048>}, {transform_indices = @transform_3, window_bounds = array<i64: 1, 2>}]} {
    %eq3A = arith.constant 0 : i32
    %eq3A_0 = arith.cmpi eq, %arg0, %eq3A : i32
    %convert_element_type3A = arith.extui %eq3A_0 : i1 to i32
    %cond3A = arith.constant 0 : i32
    %cond3A_1 = arith.cmpi ne, %convert_element_type3A, %cond3A : i32
    scf.if %cond3A_1 {
      %swap3A_54 = arith.constant 0.000000e+00 : f32
      %swap3A_55 = arith.constant 0 : index
      %swap3A_56 = arith.constant 0 : index
      %swap3A_57 = memref.load %arg5[%swap3A_55, %swap3A_56] : memref<1x1xf32, #tpu.memory_space<smem>>
      memref.store %swap3A_54, %arg5[%swap3A_55, %swap3A_56] : memref<1x1xf32, #tpu.memory_space<smem>>
      %swap3A_58 = arith.constant 0.000000e+00 : f32
      %swap3A_59 = arith.constant 0 : index
      %swap3A_60 = arith.constant 0 : index
      %swap3A_61 = memref.load %arg6[%swap3A_59, %swap3A_60] : memref<1x1xf32, #tpu.memory_space<smem>>
      memref.store %swap3A_58, %arg6[%swap3A_59, %swap3A_60] : memref<1x1xf32, #tpu.memory_space<smem>>
    } else {
    }
    %get3A = arith.constant 0 : index
    %get3A_2 = arith.constant 0 : index
    %get3A_3 = vector.load %arg2[%get3A, %get3A_2] : memref<256x2048xf32, #tpu.memory_space<vmem>>, vector<256x2048xf32>
    %get3A_4 = arith.constant 0 : index
    %get3A_5 = arith.constant 0 : index
    %get3A_6 = vector.load %arg3[%get3A_4, %get3A_5] : memref<256x2048xf32, #tpu.memory_space<vmem>>, vector<256x2048xf32>
    %get3A_7 = arith.constant 0 : index
    %get3A_8 = arith.constant 0 : index
    %get3A_9 = arith.constant 0 : index
    %get3A_10 = vector.load %arg1[%get3A_7, %get3A_8, %get3A_9] : memref<1x1x256xf32, #tpu.memory_space<vmem>>, vector<1x1x256xf32>
    %get3A_11 = vector.shape_cast %get3A_10 : vector<1x1x256xf32> to vector<1x256xf32>
    %ne3A = arith.constant 0.000000e+00 : f32
    %ne3A_12 = vector.broadcast %ne3A : f32 to vector<256x2048xf32>
    %ne3A_13 = arith.cmpf one, %get3A_6, %ne3A_12 : vector<256x2048xf32>
    %sub3A = arith.subf %get3A_3, %get3A_6 : vector<256x2048xf32>
    %mul3A = arith.mulf %sub3A, %sub3A : vector<256x2048xf32>
    %jit3A = arith.constant 0.000000e+00 : f32
    %broadcast_in_dim3A = vector.broadcast %jit3A : f32 to vector<256x2048xf32>
    %select_n3A = arith.select %ne3A_13, %mul3A, %broadcast_in_dim3A : vector<256x2048xi1>, vector<256x2048xf32>
    %reduce_sum3A = arith.constant dense<0.000000e+00> : vector<256xf32>
    %reduce_sum3A_14 = vector.multi_reduction <add>, %select_n3A, %reduce_sum3A [1] : vector<256x2048xf32> to vector<256xf32>
    %broadcast_in_dim3A_15 = vector.shape_cast %reduce_sum3A_14 : vector<256xf32> to vector<256x1xf32>
    %jit3A_16 = arith.constant 1.000000e+00 : f32
    %jit3A_17 = arith.constant 0.000000e+00 : f32
    %broadcast_in_dim3A_18 = vector.broadcast %jit3A_16 : f32 to vector<256x2048xf32>
    %broadcast_in_dim3A_19 = vector.broadcast %jit3A_17 : f32 to vector<256x2048xf32>
    %select_n3A_20 = arith.select %ne3A_13, %broadcast_in_dim3A_18, %broadcast_in_dim3A_19 : vector<256x2048xi1>, vector<256x2048xf32>
    %reduce_sum3A_21 = arith.constant dense<0.000000e+00> : vector<256xf32>
    %reduce_sum3A_22 = vector.multi_reduction <add>, %select_n3A_20, %reduce_sum3A_21 [1] : vector<256x2048xf32> to vector<256xf32>
    %broadcast_in_dim3A_23 = vector.shape_cast %reduce_sum3A_22 : vector<256xf32> to vector<256x1xf32>
    %get3A_24 = arith.constant 0 : index
    %get3A_25 = arith.constant 0 : index
    %get3A_26 = memref.load %arg5[%get3A_24, %get3A_25] : memref<1x1xf32, #tpu.memory_space<smem>>
    %dot_general3A = arith.constant dense<0.000000e+00> : vector<1x1xf32>
    %dot_general3A_27 = tpu.matmul %get3A_11, %broadcast_in_dim3A_15, %dot_general3A {dimension_numbers = #tpu.dot_dimension_numbers<[1], [0], [0], [1], [0, 0, 1, 1], [], []>, transpose_lhs_hint = false} : vector<1x256xf32>, vector<256x1xf32>, vector<1x1xf32> -> vector<1x1xf32>
    %reduce_sum3A_28 = vector.shape_cast %dot_general3A_27 : vector<1x1xf32> to vector<1x1x1xf32>
    %reduce_sum3A_29 = arith.constant dense<0.000000e+00> : vector<1xf32>
    %reduce_sum3A_30 = vector.multi_reduction <add>, %reduce_sum3A_28, %reduce_sum3A_29 [1, 2] : vector<1x1x1xf32> to vector<1xf32>
    %reduce_sum3A_31 = vector.shape_cast %reduce_sum3A_30 : vector<1xf32> to vector<1x1x1xf32>
    %reduce_sum3A_32 = vector.extract %reduce_sum3A_31[0, 0, 0] : f32 from vector<1x1x1xf32>
    %add3A = arith.addf %get3A_26, %reduce_sum3A_32 : f32
    %swap3A = arith.constant 0 : index
    %swap3A_33 = arith.constant 0 : index
    %swap3A_34 = memref.load %arg5[%swap3A, %swap3A_33] : memref<1x1xf32, #tpu.memory_space<smem>>
    memref.store %add3A, %arg5[%swap3A, %swap3A_33] : memref<1x1xf32, #tpu.memory_space<smem>>
    %get3A_35 = arith.constant 0 : index
    %get3A_36 = arith.constant 0 : index
    %get3A_37 = memref.load %arg6[%get3A_35, %get3A_36] : memref<1x1xf32, #tpu.memory_space<smem>>
    %dot_general3A_38 = arith.constant dense<0.000000e+00> : vector<1x1xf32>
    %dot_general3A_39 = tpu.matmul %get3A_11, %broadcast_in_dim3A_23, %dot_general3A_38 {dimension_numbers = #tpu.dot_dimension_numbers<[1], [0], [0], [1], [0, 0, 1, 1], [], []>, transpose_lhs_hint = false} : vector<1x256xf32>, vector<256x1xf32>, vector<1x1xf32> -> vector<1x1xf32>
    %reduce_sum3A_40 = vector.shape_cast %dot_general3A_39 : vector<1x1xf32> to vector<1x1x1xf32>
    %reduce_sum3A_41 = arith.constant dense<0.000000e+00> : vector<1xf32>
    %reduce_sum3A_42 = vector.multi_reduction <add>, %reduce_sum3A_40, %reduce_sum3A_41 [1, 2] : vector<1x1x1xf32> to vector<1xf32>
    %reduce_sum3A_43 = vector.shape_cast %reduce_sum3A_42 : vector<1xf32> to vector<1x1x1xf32>
    %reduce_sum3A_44 = vector.extract %reduce_sum3A_43[0, 0, 0] : f32 from vector<1x1x1xf32>
    %add3A_45 = arith.addf %get3A_37, %reduce_sum3A_44 : f32
    %swap3A_46 = arith.constant 0 : index
    %swap3A_47 = arith.constant 0 : index
    %swap3A_48 = memref.load %arg6[%swap3A_46, %swap3A_47] : memref<1x1xf32, #tpu.memory_space<smem>>
    memref.store %add3A_45, %arg6[%swap3A_46, %swap3A_47] : memref<1x1xf32, #tpu.memory_space<smem>>
    %eq3A_49 = arith.constant 23 : i32
    %eq3A_50 = arith.cmpi eq, %arg0, %eq3A_49 : i32
    %convert_element_type3A_51 = arith.extui %eq3A_50 : i1 to i32
    %cond3A_52 = arith.constant 0 : i32
    %cond3A_53 = arith.cmpi ne, %convert_element_type3A_51, %cond3A_52 : i32
    scf.if %cond3A_53 {
      %get3A_54 = arith.constant 0 : index
      %get3A_55 = arith.constant 0 : index
      %get3A_56 = memref.load %arg5[%get3A_54, %get3A_55] : memref<1x1xf32, #tpu.memory_space<smem>>
      %swap3A_57 = arith.constant 0 : index
      %swap3A_58 = arith.constant 0 : index
      %swap3A_59 = memref.load %arg4[%swap3A_57, %swap3A_58] : memref<1x2xf32, #tpu.memory_space<smem>>
      memref.store %get3A_56, %arg4[%swap3A_57, %swap3A_58] : memref<1x2xf32, #tpu.memory_space<smem>>
      %get3A_60 = arith.constant 0 : index
      %get3A_61 = arith.constant 0 : index
      %get3A_62 = memref.load %arg6[%get3A_60, %get3A_61] : memref<1x1xf32, #tpu.memory_space<smem>>
      %swap3A_63 = arith.constant 0 : index
      %swap3A_64 = arith.constant 1 : index
      %swap3A_65 = memref.load %arg4[%swap3A_63, %swap3A_64] : memref<1x2xf32, #tpu.memory_space<smem>>
      memref.store %get3A_62, %arg4[%swap3A_63, %swap3A_64] : memref<1x2xf32, #tpu.memory_space<smem>>
    } else {
    }
    return
  }
  func.func @transform_0(%arg0: i32) -> (i32, i32, i32) {
    %add3A = arith.constant 40 : i32
    %add3A_0 = arith.addi %add3A, %arg0 : i32
    %c0_i32 = arith.constant 0 : i32
    %c0_i32_1 = arith.constant 0 : i32
    %c0_i32_2 = arith.constant 0 : i32
    return %add3A_0, %c0_i32, %c0_i32_1 : i32, i32, i32
  }
  func.func @transform_1(%arg0: i32) -> (i32, i32) {
    %add3A = arith.constant 40 : i32
    %add3A_0 = arith.addi %add3A, %arg0 : i32
    %c0_i32 = arith.constant 0 : i32
    %c0_i32_1 = arith.constant 0 : i32
    return %add3A_0, %c0_i32 : i32, i32
  }
  func.func @transform_2(%arg0: i32) -> (i32, i32) {
    %add3A = arith.constant 40 : i32
    %add3A_0 = arith.addi %add3A, %arg0 : i32
    %c0_i32 = arith.constant 0 : i32
    %c0_i32_1 = arith.constant 0 : i32
    return %add3A_0, %c0_i32 : i32, i32
  }
  func.func @transform_3(%arg0: i32) -> (i32, i32) {
    %c0_i32 = arith.constant 0 : i32
    %c0_i32_0 = arith.constant 0 : i32
    %c0_i32_1 = arith.constant 0 : i32
    return %c0_i32, %c0_i32_0 : i32, i32
  }
}

</mosaic_0001>

<sc_bundles>
// kernel: kernel.5.cloned.1.call-start
scs
__scs_entry_jumppad:
0x0: {  	(pc) =	sbr.rel $0x88, $3  }
0x1: {  	(tag) =	ssettag $0x0;
	lr =	simm.s32 $0x1  }
0x2: {  	[smem:$0x3F9E] =	sst lr;
	_ =	strace $0xD0000000  }
0x3: {  	_ = 	snop  }
0x4: {  	_ = 	snop  }
0x5: {  	_ = 	snop  }
0x6: {  	_ = 	snop  }
0x7: {  	_ = 	snop  }
__scs_overlays_trampoline_lowered:
0x8: {  	[smem:$0x3FAD] =	sst s0  }
0x9: {  	[smem:$0x3FAE] =	sst s1  }
0xa: {  	[smem:$0x3FAF] =	sst s2  }
0xb: {  	[smem:$0x3FB0] =	sst s3  }
0xc: {  	[smem:$0x3FB1] =	sst s4  }
0xd: {  	[smem:$0x3FB2] =	sst s5  }
0xe: {  	[smem:$0x3FB3] =	sst s6  }
0xf: {  	[smem:$0x3FB4] =	sst s7  }
0x10: {  	[smem:$0x3FB5] =	sst s8  }
0x11: {  	[smem:$0x3FB6] =	sst s9;
	s0 =	simm.s32 @!p0 $0x0  }
0x12: {  	s1 =	sld [smem:$0x3F9C];
	s0 =	simm.s32 @p0 $0x1  }
0x13: {  	[smem:$0x3FB7] =	sst s0;
	s0 =	simm.s32 @!p1 $0x0  }
0x14: {  	s2 =	sld [smem:$0x3F9B];
	s0 =	simm.s32 @p1 $0x1  }
0x15: {  	[smem:$0x3FB8] =	sst s0;
	s0 =	simm.s32 @!p2 $0x0  }
0x16: {  	s3 =	sld [smem:$0x3FDB];
	s0 =	simm.s32 @p2 $0x1  }
0x17: {  	s4 =	simm.s32 $0x1BF5;
	[smem:$0x3FBA] =	sst s0  }
0x18: {  	s0 =	sld [smem:$0x3F9D];
	_ =	swait.ge [sflag:s4], $0x0  }
0x19: {  	s7 =	sld [smem:$0x3F9E]  }
0x1a: {  	s8 =	sadd.s32 $0xFFFFE003, lr  }
0x1b: {  	s9 =	sadd.s32 $0xFFFFFEF7, lr;
	s5 =	simm.s32 $0xFFFFFFFF;
	p2 =	slt.u32 s8, $0xFFFFF086  }
0x1c: {  	p1 =	slt.u32 s9, $0xF7A;
	s5 =	simm.s32 @!p2 $0x0  }
0x1d: {  	s5 =	simm.s32 @p1 $0x1;
	p0 =	seq.s32 s7, s2  }
0x1e: {  	s7 =	smul.u32 @!p0 $0xF7A, s2;
	p2 =	seq.s32 @!p0 s5, $0x0  }
0x1f: {  	s9 =	smul.u32 $0xF7A, s1;
	s8 =	simm.s32 @!p0 $0x1BF5;
	p2 =	por !p2, p0  }
0x20: {  	[sflag:s8] =	ssyncset.s32 @!p0 $0xFFFFF086;
	s6 =	sadd.s32 @!p0 s3, s7;
	s7 =	simm.s32 @!p0 $0x108  }
0x21: {  	s3 =	sadd.s32 s3, s9;
	s6 =	sadd.s32 @!p0 $0x88, s6;
	s7 =	simm.s32 @p2 $0x1082  }
0x22: {  	[simem:s7], [sflag:s8] =	dma.local @!p0 [hbm:s6], $0xF7A  }
0x23: {  	s9 =	sor.u32 $0xD0000000, s2;
	s6 =	simm.s32 $0x108;
	_ =	swait.ge @!p0 [sflag:s8], $0x0  }
0x24: {  	s3 =	sadd.s32 $0x88, s3;
	s6 =	simm.s32 @!p1 $0x1082;
	[sflag:s4] =	ssyncset.s32 $0xFFFFF086  }
0x25: {  	[simem:s6], [sflag:s4] =	dma.local [hbm:s3], $0xF7A  }
0x26: {  	[smem:$0x3F9E] =	sst s1;
	(tag) =	ssettag s2;
	_ =	strace s9  }
0x27: {  	s1 =	sld [smem:$0x3FAE]  }
0x28: {  	s2 =	sld [smem:$0x3FAF]  }
0x29: {  	s4 =	sld [smem:$0x3FB1]  }
0x2a: {  	p0 =	seq.s32 s5, $0x0;
	s5 =	sld [smem:$0x3FB2]  }
0x2b: {  	s6 =	sld [smem:$0x3FB3]  }
0x2c: {  	s7 =	sld [smem:$0x3FB4]  }
0x2d: {  	s3 =	simm.s32 $0x108;
	s8 =	sld [smem:$0x3FB5]  }
0x2e: {  	s3 =	simm.s32 @!p0 $0x1082;
	s9 =	sld [smem:$0x3FB6]  }
0x2f: {  	lr =	sadd.s32 s0, s3;
	s0 =	sld [smem:$0x3FAD]  }
0x30: {  	s3 =	sld [smem:$0x3FB0]  }
0x31: {  	[smem:$0x3FB9] =	sst s10  }
0x32: {  	s10 =	sld [smem:$0x3FB7];
	_ =	sdelay $0x3  }
0x33: {  	p0 =	seq.s32 s10, $0x1;
	s10 =	sld [smem:$0x3FB9];
	_ =	sdelay $0x3  }
0x34: {  	[smem:$0x3FB9] =	sst s10  }
0x35: {  	s10 =	sld [smem:$0x3FB8];
	_ =	sdelay $0x3  }
0x36: {  	p1 =	seq.s32 s10, $0x1;
	s10 =	sld [smem:$0x3FB9];
	_ =	sdelay $0x3  }
0x37: {  	[smem:$0x3FB9] =	sst s10  }
0x38: {  	s10 =	sld [smem:$0x3FBA]  }
0x39: {  	_ = 	snop;
	(pc) =	sbr.ind lr, $3  }
0x3a: {  	_ = 	snop  }
0x3b: {  	_ = 	snop  }
0x3c: {  	p2 =	seq.s32 s10, $0x1;
	s10 =	sld [smem:$0x3FB9]  }
0x3d: {  	_ =	shalt  }
0x3e: {  	_ =	shalt  }
0x3f: {  	_ =	shalt  }
0x40: {  	_ =	shalt  }
0x41: {  	_ =	shalt  }
0x42: {  	_ =	shalt  }
0x43: {  	_ =	shalt  }
0x44: {  	_ =	shalt  }
0x45: {  	_ =	shalt  }
0x46: {  	_ =	shalt  }
0x47: {  	_ =	shalt  }
0x48: {  	_ =	shalt  }
0x49: {  	_ =	shalt  }
0x4a: {  	_ =	shalt  }
0x4b: {  	_ =	shalt  }
0x4c: {  	_ =	shalt  }
0x4d: {  	_ =	shalt  }
0x4e: {  	_ =	shalt  }
0x4f: {  	_ =	shalt  }
0x50: {  	_ =	shalt  }
0x51: {  	_ =	shalt  }
0x52: {  	_ =	shalt  }
0x53: {  	_ =	shalt  }
0x54: {  	_ =	shalt  }
0x55: {  	_ =	shalt  }
0x56: {  	_ =	shalt  }
0x57: {  	_ =	shalt  }
0x58: {  	_ =	shalt  }
0x59: {  	_ =	shalt  }
0x5a: {  	_ =	shalt  }
0x5b: {  	_ =	shalt  }
0x5c: {  	_ =	shalt  }
0x5d: {  	_ =	shalt  }
0x5e: {  	_ =	shalt  }
0x5f: {  	_ =	shalt  }
0x60: {  	_ =	shalt  }
0x61: {  	_ =	shalt  }
0x62: {  	_ =	shalt  }
0x63: {  	_ =	shalt  }
0x64: {  	_ =	shalt  }
0x65: {  	_ =	shalt  }
0x66: {  	_ =	shalt  }
0x67: {  	_ =	shalt  }
0x68: {  	_ =	shalt  }
0x69: {  	_ =	shalt  }
0x6a: {  	_ =	shalt  }
0x6b: {  	_ =	shalt  }
0x6c: {  	_ =	shalt  }
0x6d: {  	_ =	shalt  }
0x6e: {  	_ =	shalt  }
0x6f: {  	_ =	shalt  }
0x70: {  	_ =	shalt  }
0x71: {  	_ =	shalt  }
0x72: {  	_ =	shalt  }
0x73: {  	_ =	shalt  }
0x74: {  	_ =	shalt  }
0x75: {  	_ =	shalt  }
0x76: {  	_ =	shalt  }
0x77: {  	_ =	shalt  }
0x78: {  	_ =	shalt  }
0x79: {  	_ =	shalt  }
0x7a: {  	_ =	shalt  }
0x7b: {  	_ =	shalt  }
0x7c: {  	_ =	shalt  }
0x7d: {  	_ =	shalt  }
0x7e: {  	_ =	shalt  }
0x7f: {  	_ =	shalt  }
0x80: {  	_ =	shalt  }
0x81: {  	_ =	shalt  }
0x82: {  	_ =	shalt  }
0x83: {  	_ =	shalt  }
0x84: {  	_ =	shalt  }
0x85: {  	_ =	shalt  }
0x86: {  	_ =	shalt  }
0x87: {  	_ =	shalt  }
.Lfunc_end0:
.L_simem_size_0:
called_computation_lowered:
.L_overlay_start_0:
0x88: {  	s2 =	sld [smem:$0x3FD9]  }
0x89: {  	s3 =	sld [smem:$0x3FFE];
	_ =	sdelay $0x1  }
0x8a: {  	s1 =	srdreg.scid  }
0x8b: {  	s0 =	sand.u32 $0x1, s1  }
0x8c: {  	s17 =	sshll.u32 s0, $0xA;
	s2 =	sadd.s32 s3, s2  }
0x8d: {  	s2 =	sadd.s32 s2, s17  }
0x8e: {  	[smem:$0x3FC5] =	sst s2  }
0x8f: {  	_ = 	snop  }
0x90: {  	s2 =	sld [smem:$0x3FC9]  }
0x91: {  	s18 =	sld [smem:$0x3FC8];
	(tm) =	ssettm $0x1  }
0x92: {  	s4 =	sld [smem:$0x3FFB];
	_ =	sdelay $0x3  }
0x93: {  	_ =	strace s4  }
0x94: {  	s4 =	sld [smem:$0x3FFC];
	_ =	sdelay $0x3  }
0x95: {  	_ =	strace s4  }
0x96: {  	s4 =	sld [smem:$0x3FFD];
	_ =	sdelay $0x3  }
0x97: {  	_ =	strace s4  }
0x98: {  	_ =	strace $0x8FFFFFFF  }
0x99: {  	s19 =	sld [smem:$0x3FDB];
	_ =	sdelay $0x1  }
0x9a: {  	s5 =	simm.s32 $_scs_section_size  }
0x9b: {  	s6 =	simm.s32 $_size__tile_overlayer_lowered;
	s7 =	simm.s32 $_tile_overlayer_lowered  }
0x9c: {  	s22 =	simm.s32 $0x1BFF;
	s21 =	sshll.u32 s7, $0x1;
	s4 =	sadd.s32 s5, s19  }
0x9d: {  	s8 =	simm.s32 $0x0;
	s20 =	sshll.u32 s6, $0x1;
	s6 =	sadd.s32 s21, s4  }
0x9e: {  	[timem:s8], [sflag:s22] =	dma.local [hbm:s6], s20  }
0x9f: {  	_ =	swait.ge [sflag:s22], s20  }
0xa0: {  	s5 =	ssub.s32 $0x0, s20;
	[sflag:s22] =	ssyncset.done $0x0  }
0xa1: {  	[sflag:s22] =	ssyncadd.s32 s5;
	_ =	sdelay $0x1  }
0xa2: {  	s23 =	simm.s32 $0x1B8B  }
0xa3: {  	_ =	swait.ge [sflag:s23], $0x1  }
0xa4: {  	[sflag:s23] =	ssyncset.done $0x0  }
0xa5: {  	s25 =	simm.s32 $0x1B8E;
	s24 =	sld [smem:$0x3FFE];
	[sflag:s23] =	ssyncadd.s32 $0xFFFFFFFF  }
0xa6: {  	s26 =	simm.s32 $execute0_lowered;
	[smem:$0x3FD2] =	sst s25  }
0xa7: {  	s6 =	sshll.u32 s26, $0x1;
	_ =	strace $0x80000046;
	[dreg:$0x1] =	wrdreg $0xFFFFFFFF  }
0xa8: {  	s28 =	simm.s32 $_size_execute0_lowered;
	s4 =	sadd.s32 s4, s6;
	[dreg:$0x0] =	wrdreg $0x0  }
0xa9: {  	s6 =	sshll.u32 s28, $0x1;
	[dreg:$0x2] =	wrdreg s4  }
0xaa: {  	[dreg:$0x3] =	wrdreg s6  }
0xab: {  	[dreg:$0x4] =	wrdreg $0xC0  }
0xac: {  	_ =	task [dreg:s8], $0x5FFFF  }
0xad: {  	[dreg:$0x1] =	wrdreg $0xFFFFFFFF  }
0xae: {  	[dreg:$0x0] =	wrdreg $0x60  }
0xaf: {  	[dreg:$0x2] =	wrdreg s24  }
0xb0: {  	[dreg:$0x3] =	wrdreg s2  }
0xb1: {  	[dreg:$0x4] =	wrdreg s18  }
0xb2: {  	[dreg:$0x5] =	wrdreg $0x9  }
0xb3: {  	_ =	task.clear_ibuf [dreg:s8], $0x6FFFF;
	_ =	strace $0x90000046  }
0xb4: {  	s29 =	simm.s32 $0x9;
	_ =	strace $0x80000048  }
0xb5: {  	_ =	swait.ge [sflag:s29], $0x1  }
0xb6: {  	[sflag:s29] =	ssyncadd.s32 $0xFFFFFFFF  }
0xb7: {  	_ =	strace $0x90000048  }
0xb8: {  	_ =	sfence  }
0xb9: {  	s30 =	sld [smem:$0x0];
	_ =	sdelay $0x2  }
0xba: {  	s31 =	sshll.u32 s1, $0xD;
	s1 =	sshrl.u32 s1, $0x2  }
0xbb: {  	s3 =	sand.u32 $0x4000, s31;
	s1 =	sadd.s32 s1, s30  }
0xbc: {  	s0 =	sor.u32 s3, s0;
	s1 =	sshll.u32 s1, $0x11  }
0xbd: {  	s0 =	sor.u32 s1, s0  }
0xbe: {  	s0 =	sadd.s32 $0x8F2B, s0  }
0xbf: {  	[sflag:s0] =	ssyncadd.remote.s32 $0x1  }
0xc0: {  	_ =	sfence.sel $0xFFFF  }
0xc1: {  	[dreg:$0x0] =	wrdreg $0xFFFFFFFF;
	(pc) =	sbr.abs _section_cstart, $3  }
0xc2: {  	[dreg:$0x1] =	wrdreg $0xFFFFFFFF  }
0xc3: {  	_ =	task.clear_ibuf [dreg:s8], $0x2FFFF;
	_ =	strace $0x9FFFFFFF  }
0xc4: {  	(tm) =	ssettm $0x7FFFFFFF  }
0xc5: {  	_ =	shalt  }
tec
execute0_lowered:
.L_overlay_start_1:
0x0: {  	(tag) =	ssettag $0x1  }
0x1: {  	s0 =	rddreg [dreg:$0x0]  }
0x2: {  	s2 =	rddreg [dreg:$0x1];
	s1 =	srdreg.scid  }
0x3: {  	s18 =	stileid.u32;
	s3 =	rddreg [dreg:$0x2]  }
0x4: {  	s22 =	simm.s32 $0x0;
	s25 =	simm.s32 $0x180;
	s24 =	simm.s32 $0x0  }
0x5: {  	s1 =	sand.u32 $0x1, s1;
	s4 =	smul.u32 $0x280, s18;
	[smem:$0x7FF] =	sst s22  }
0x6: {  	s8 =	sadd.s32 $0x100, s2;
	s9 =	sadd.s32 $0x200, s2;
	s10 =	sadd.s32 $0x300, s2  }
0x7: {  	s11 =	sadd.s32 $0x400, s2;
	s12 =	sadd.s32 $0x500, s2;
	s13 =	sadd.s32 $0x600, s2  }
0x8: {  	s14 =	sadd.s32 $0x700, s2;
	s15 =	sadd.s32 $0x100, s3;
	s16 =	sadd.s32 $0x200, s3  }
0x9: {  	s17 =	sadd.s32 $0x300, s3;
	s30 =	sshll.u32 s18, $0x6;
	s18 =	sadd.s32 $0x400, s3  }
0xa: {  	s19 =	sadd.s32 $0x500, s3;
	s5 =	smul.u32 $0x130, s1;
	s28 =	ssub.s32 $0x2, s1  }
0xb: {  	s6 =	sshll.u32 s1, $0x5;
	p0 =	seq.s32 s1, $0x0;
	s1 =	simm.s32 $0x13  }
0xc: {  	_ =	strace $0x80000047;
	s7 =	sshrl.u32 s28, $0x1;
	s1 =	simm.s32 @!p0 $0x15  }
0xd: {  	s23 =	sadd.s32 s5, s4;
	s4 =	ssub.s32 s28, s7;
	[dreg:$0x6] =	wrdreg s1  }
.Ltmp0:
0xe: {  	s5 =	sshrl.u32 s23, $0x3;
	s31 =	smax.u32 s4, $0x1;
	(pc) =	sbr.rel .LBB2_1-.Ltmp0, $4  }
0xf: {  	[dreg:$0x4] =	wrdreg s23;
	s5 =	sadd.s32 s5, s0;
	s0 =	sadd.s32 s6, s0  }
0x10: {  	v0 =	vlaneseq.u32;
	[dreg:$0x8] =	wrdreg s31;
	s29 =	sadd.s32 $0x800, s5;
	s0 =	sadd.s32 s30, s0  }
0x11: {  	v2 =	vimm.s32 $0x0;
	vm0 =	vmmov $0xffff;
	s20 =	sadd.s32 $0x600, s3;
	v4 =	vshrl.u32 v0, $0x3;
	[dreg:$0x5] =	wrdreg s29;
	s0 =	sadd.s32 $0xE00, s0  }
0x12: {  	s21 =	sadd.s32 $0x700, s3;
	v3 =	vand.u32 $0x7, v0;
	v4 =	vmul.u32 $0x8, v4;
	s7 =	simm.s32 $0x7;
	v1 =	vmov s23;
	[dreg:$0x7] =	wrdreg s0  }
.LBB2_15:
0x13: {  	s23 =	rddreg [dreg:$0x4]  }
0x14: {  	v5 =	vcvt.s32.f32 v5;
	s22 =	simm.s32 $0x0;
	s7 =	simm.s32 $0x7;
	s24 =	rddreg [dreg:$0x9]  }
.LBB2_16:
0x15: {  	[tilespmem:$0x18300] =	vst v7  }
0x16: {  	s0 =	rddreg [dreg:$0x7];
	s1 =	simm.s32 $0x18300;
	[tilespmem:$0x18380] =	vst v5  }
0x17: {  	[hbm4b:s0+s22] =	stream.linear.scatter [tilespmem:s1], [sflag:$0x7], $0x100, $0x38;
	[tilespmem:$0x18400] =	vst v63  }
0x18: {  	_ =	swait.ge [sflag:s7], $0x100  }
0x19: {  	s24 =	sadd.s32 $0x1, s24;
	s31 =	rddreg [dreg:$0x8]  }
0x1a: {  	p0 =	sne.s32 s24, s31  }
.Ltmp1:
0x1b: {  	_ = 	snop;
	(pc) =	sbr.rel @!p0 .LBB2_17-.Ltmp1, $3  }
0x1c: {  	_ =	sdelay $0x1  }
0x1d: {  	[sflag:s7] =	ssyncset.done $0x0  }
0x1e: {  	[sflag:s7] =	ssyncadd.s32 $0xFFFFFF00  }
.LBB2_1:
0x1f: {  	s0 =	rddreg [dreg:$0x5]  }
0x20: {  	[tilespmem:s22], [sflag:$0x7] =	stream.linear.gather [hbm4b:s0+s22], $0x150, $0x38;
	[tilespmem:$0x18400] =	vst v63  }
0x21: {  	_ =	swait.ge [sflag:s7], $0x150  }
0x22: {  	s31 =	rddreg [dreg:$0x6]  }
0x23: {  	p1 =	sne.s32 s31, $0x1  }
.Ltmp2:
0x24: {  	_ = 	snop;
	(pc) =	sbr.rel @!p1 .LBB2_2-.Ltmp2, $4  }
0x25: {  	_ = 	snop  }
0x26: {  	[sflag:s7] =	ssyncset.done $0x0  }
0x27: {  	[sflag:s7] =	ssyncadd.s32 $0xFFFFFEB0  }
0x28: {  	p0 =	por $0x0, $0x0;
	s0 =	sadd.s32 $0xFFFFFFFF, s31;
	v5 =	vld [tilespmem:s22+$0x0]  }
0x29: {  	_ =	sdelay $0x3  }
0x2a: {  	vm1 =	vne.s32 v5, $0x0  }
0x2b: {  	v5 =	vsel vm1, $0x1, v2  }
0x2c: {  	(xrf0) =	vadd.scan.msk.s32 $0xffff, v5;
	_ =	sdelay $0x3  }
0x2d: {  	v5 =	vmov s22  }
0x2e: {  	v5 =	vadd.s32 $0xFFFFFFFF, v5  }
0x2f: {  	v5 =	vbroadcast v5, $0x0;
	v6, _, _ =	vpop (xrf0)  }
0x30: {  	(v2sf) =	vpush v6, $0xF  }
0x31: {  	v5 =	vadd.s32 v6, v5  }
0x32: {  	p1 =	sne.s32 s0, $0x1  }
.Ltmp3:
0x33: {  	_ = 	snop;
	(pc) =	sbr.rel @!p1 .LBB2_4-.Ltmp3, $4  }
0x34: {  	_ = 	snop  }
0x35: {  	v7 =	vor.u32 s23, v0  }
0x36: {  	s4 =	simm.s32 $0x10;
	s5 =	sadd.s32 $0xFFFFFFFF, s0;
	[tilespmem:v5+s25+$0x0] =	vst.idx.msk vm1, v7  }
0x37: {  	p0 =	por $0x1, $0x1;
	s1 =	simm.s32 $0x0;
	s0 =	smov.u32 s23;
	v5 =	vld [tilespmem:s4+$0x0]  }
.LBB2_5:
0x38: {  	p1 =	sne.s32 s5, $0x1;
	_ =	sdelay $0x3  }
0x39: {  	vm1 =	vne.s32 v5, $0x0  }
0x3a: {  	v5 =	vsel vm1, $0x1, v2  }
0x3b: {  	(xrf0) =	vadd.scan.msk.s32 $0xffff, v5  }
0x3c: {  	s6 =	spop (v2sf)  }
0x3d: {  	s1 =	sadd.s32 s1, s6  }
0x3e: {  	v5 =	vmov s1  }
0x3f: {  	v5 =	vadd.s32 $0xFFFFFFFF, v5  }
0x40: {  	v5 =	vbroadcast v5, $0x0  }
0x41: {  	v6, _, _ =	vpop (xrf0)  }
0x42: {  	v5 =	vadd.s32 v6, v5;
	(v2sf) =	vpush v6, $0xF;
	_ =	sdelay $0x2  }
.Ltmp4:
0x43: {  	s0 =	sadd.s32 $0x10, s0;
	(pc) =	sbr.rel @p1 .LBB2_5-.Ltmp4, $4  }
0x44: {  	v6 =	vor.u32 s0, v0  }
0x45: {  	[tilespmem:v5+s25+$0x0] =	vst.idx.msk vm1, v6  }
0x46: {  	s4 =	sadd.s32 $0x10, s4  }
0x47: {  	s5 =	sadd.s32 $0xFFFFFFFF, s5;
	v5 =	vld [tilespmem:s4+$0x0]  }
.LBB2_6:
0x48: {  	_ =	sdelay $0x3  }
0x49: {  	vm1 =	vne.s32 v5, $0x0  }
0x4a: {  	v5 =	vsel vm1, $0x1, v2  }
0x4b: {  	(xrf0) =	vadd.scan.msk.s32 $0xffff, v5;
	_ =	sdelay $0x5  }
0x4c: {  	v5, _, _ =	vpop (xrf0)  }
0x4d: {  	(v2sf) =	vpush v5, $0xF;
	_ =	sdelay $0xc  }
0x4e: {  	s4 =	spop @p0 (v2sf)  }
0x4f: {  	s1 =	sadd.s32 @p0 s1, s4;
	s4 =	simm.s32 $0x0  }
0x50: {  	s4 =	smov.u32 @p0 s1;
	s26 =	spop (v2sf)  }
0x51: {  	s29 =	sadd.s32 s4, s26  }
0x52: {  	s1 =	sadd.s32 $0x7, s29  }
0x53: {  	s28 =	sand.u32 $0x7, s1  }
0x54: {  	v6 =	vmov s4;
	s5 =	sshra.s32 s1, $0x1F;
	p1 =	slt.s32 s1, $0x1;
	p2 =	sne.s32 s28, $0x0  }
0x55: {  	v6 =	vadd.s32 $0xFFFFFFFF, v6;
	s30 =	sshrl.u32 s5, $0x1D;
	p1 =	por !p1, !p2  }
0x56: {  	v6 =	vbroadcast v6, $0x0;
	s4 =	simm.s32 $0x1;
	s1 =	sadd.s32 s30, s1;
	p1 =	por !p1, !p1  }
0x57: {  	s31 =	sshra.s32 s1, $0x3;
	s4 =	simm.s32 @!p1 $0x0  }
0x58: {  	s0 =	sadd.s32 @p0 $0x10, s0;
	v5 =	vadd.s32 v5, v6;
	s5 =	smov.u32 s23;
	s1 =	ssub.s32 s31, s4  }
0x59: {  	s5 =	smov.u32 @p0 s0;
	p0 =	slt.s32 s1, $0x1  }
.Ltmp5:
0x5a: {  	_ = 	snop;
	(pc) =	sbr.rel @p0 .LBB2_7-.Ltmp5, $4  }
0x5b: {  	_ = 	snop  }
0x5c: {  	v6 =	vor.u32 s5, v0  }
0x5d: {  	[tilespmem:v5+s25+$0x0] =	vst.idx.msk vm1, v6  }
0x5e: {  	[tilespmem:s29+$0x180] =	vst v1  }
0x5f: {  	v5 =	vld.msk [tilespmem:$0x180], $0xff;
	_ =	sdelay $0x4  }
0x60: {  	v6 =	vshll.u32 v5, $0x4  }
0x61: {  	v5 =	vand.u32 $0x7, v5;
	v6 =	vand.u32 $0xFFFFFF80, v6  }
0x62: {  	v5 =	vor.u32 v5, v6  }
0x63: {  	v5 =	vperm.xlane v5, v3;
	_ =	sdelay $0x1  }
0x64: {  	v5 =	vadd.s32 v4, v5;
	_ =	sdelay $0x3  }
0x65: {  	s0 =	simm.s32 $0x300  }
0x66: {  	[tilespmem:s0], [sflag:$0x1] =	stream.indirect_vreg.gather [hbm4b:s2+s22], $0x80, v5, vm0, $0xb8;
	[tilespmem:$0x18400] =	vst v63  }
0x67: {  	s5 =	simm.s32 $0xB00  }
0x68: {  	[tilespmem:s5], [sflag:$0x1] =	stream.indirect_vreg.gather [hbm4b:s8+s22], $0x80, v5, vm0, $0xb8;
	[tilespmem:$0x18400] =	vst v63  }
0x69: {  	s6 =	simm.s32 $0x1300  }
0x6a: {  	[tilespmem:s6], [sflag:$0x1] =	stream.indirect_vreg.gather [hbm4b:s9+s22], $0x80, v5, vm0, $0xb8;
	[tilespmem:$0x18400] =	vst v63  }
0x6b: {  	s7 =	simm.s32 $0x1B00  }
0x6c: {  	[tilespmem:s7], [sflag:$0x1] =	stream.indirect_vreg.gather [hbm4b:s10+s22], $0x80, v5, vm0, $0xb8;
	[tilespmem:$0x18400] =	vst v63  }
0x6d: {  	s23 =	simm.s32 $0x2300  }
0x6e: {  	[tilespmem:s23], [sflag:$0x1] =	stream.indirect_vreg.gather [hbm4b:s11+s22], $0x80, v5, vm0, $0xb8;
	[tilespmem:$0x18400] =	vst v63  }
0x6f: {  	[dreg:$0x9] =	wrdreg s24;
	s24 =	simm.s32 $0x2B00  }
0x70: {  	[tilespmem:s24], [sflag:$0x1] =	stream.indirect_vreg.gather [hbm4b:s12+s22], $0x80, v5, vm0, $0xb8;
	[tilespmem:$0x18400] =	vst v63  }
0x71: {  	s26 =	simm.s32 $0x3300  }
0x72: {  	[tilespmem:s26], [sflag:$0x1] =	stream.indirect_vreg.gather [hbm4b:s13+s22], $0x80, v5, vm0, $0xb8;
	[tilespmem:$0x18400] =	vst v63  }
0x73: {  	s30 =	simm.s32 $0x3B00  }
0x74: {  	[tilespmem:s30], [sflag:$0x1] =	stream.indirect_vreg.gather [hbm4b:s14+s22], $0x80, v5, vm0, $0xb8;
	[tilespmem:$0x18400] =	vst v63  }
0x75: {  	v5 =	vld.msk [tilespmem:$0x180], $0xff;
	_ =	sdelay $0x4  }
0x76: {  	v6 =	vshll.u32 v5, $0x4  }
0x77: {  	v5 =	vand.u32 $0x7, v5;
	v6 =	vand.u32 $0xFFFFFF80, v6  }
0x78: {  	v5 =	vor.u32 v5, v6  }
0x79: {  	v5 =	vperm.xlane v5, v3;
	_ =	sdelay $0x1  }
0x7a: {  	v5 =	vadd.s32 v4, v5;
	_ =	sdelay $0x3  }
0x7b: {  	s4 =	simm.s32 $0xC300  }
0x7c: {  	[tilespmem:s4], [sflag:$0x4] =	stream.indirect_vreg.gather [hbm4b:s3+s22], $0x80, v5, vm0, $0xb8;
	[tilespmem:$0x18400] =	vst v63  }
0x7d: {  	s5 =	simm.s32 $0xCB00  }
0x7e: {  	[tilespmem:s5], [sflag:$0x4] =	stream.indirect_vreg.gather [hbm4b:s15+s22], $0x80, v5, vm0, $0xb8;
	[tilespmem:$0x18400] =	vst v63  }
0x7f: {  	s6 =	simm.s32 $0xD300  }
0x80: {  	[tilespmem:s6], [sflag:$0x4] =	stream.indirect_vreg.gather [hbm4b:s16+s22], $0x80, v5, vm0, $0xb8;
	[tilespmem:$0x18400] =	vst v63  }
0x81: {  	s7 =	simm.s32 $0xDB00  }
0x82: {  	[tilespmem:s7], [sflag:$0x4] =	stream.indirect_vreg.gather [hbm4b:s17+s22], $0x80, v5, vm0, $0xb8;
	[tilespmem:$0x18400] =	vst v63  }
0x83: {  	s23 =	simm.s32 $0xE300  }
0x84: {  	[tilespmem:s23], [sflag:$0x4] =	stream.indirect_vreg.gather [hbm4b:s18+s22], $0x80, v5, vm0, $0xb8;
	[tilespmem:$0x18400] =	vst v63  }
0x85: {  	s24 =	simm.s32 $0xEB00  }
0x86: {  	[tilespmem:s24], [sflag:$0x4] =	stream.indirect_vreg.gather [hbm4b:s19+s22], $0x80, v5, vm0, $0xb8;
	[tilespmem:$0x18400] =	vst v63  }
0x87: {  	s26 =	simm.s32 $0xF300  }
0x88: {  	[tilespmem:s26], [sflag:$0x4] =	stream.indirect_vreg.gather [hbm4b:s20+s22], $0x80, v5, vm0, $0xb8;
	[tilespmem:$0x18400] =	vst v63  }
0x89: {  	p0 =	seq.s32 s1, $0x1;
	s30 =	simm.s32 $0xFB00  }
0x8a: {  	[tilespmem:s30], [sflag:$0x4] =	stream.indirect_vreg.gather [hbm4b:s21+s22], $0x80, v5, vm0, $0xb8;
	[tilespmem:$0x18400] =	vst v63  }
0x8b: {  	v5 =	vld.msk @!p0 [tilespmem:$0x188], $0xff;
	_ =	sdelay $0x4  }
0x8c: {  	v6 =	vshll.u32 @!p0 v5, $0x4  }
0x8d: {  	v7 =	vlaneseq.u32 @!p0;
	v5 =	vand.u32 @!p0 $0x7, v5;
	v6 =	vand.u32 @!p0 $0xFFFFFF80, v6  }
0x8e: {  	v5 =	vor.u32 @!p0 v5, v6;
	v6 =	vand.u32 @!p0 $0x7, v7;
	v7 =	vshrl.u32 @!p0 v7, $0x3  }
0x8f: {  	v5 =	vperm.xlane @!p0 v5, v6;
	v7 =	vmul.u32 @!p0 $0x8, v7;
	_ =	sdelay $0x1  }
0x90: {  	v5 =	vadd.s32 @!p0 v7, v5;
	_ =	sdelay $0x3  }
0x91: {  	vm1 =	vmmov @!p0 $0xffff;
	s0 =	simm.s32 @!p0 $0x0;
	s4 =	simm.s32 @!p0 $0x4300  }
0x92: {  	[tilespmem:s4], [sflag:$0x2] =	stream.indirect_vreg.gather @!p0 [hbm4b:s2+s0], $0x80, v5, vm1, $0xb8;
	[tilespmem:$0x18400] =	vst v63  }
0x93: {  	s4 =	simm.s32 @!p0 $0x4B00  }
0x94: {  	[tilespmem:s4], [sflag:$0x2] =	stream.indirect_vreg.gather @!p0 [hbm4b:s8+s0], $0x80, v5, vm1, $0xb8;
	[tilespmem:$0x18400] =	vst v63  }
0x95: {  	s4 =	simm.s32 @!p0 $0x5300  }
0x96: {  	[tilespmem:s4], [sflag:$0x2] =	stream.indirect_vreg.gather @!p0 [hbm4b:s9+s0], $0x80, v5, vm1, $0xb8;
	[tilespmem:$0x18400] =	vst v63  }
0x97: {  	s4 =	simm.s32 @!p0 $0x5B00  }
0x98: {  	[tilespmem:s4], [sflag:$0x2] =	stream.indirect_vreg.gather @!p0 [hbm4b:s10+s0], $0x80, v5, vm1, $0xb8;
	[tilespmem:$0x18400] =	vst v63  }
0x99: {  	s4 =	simm.s32 @!p0 $0x6300  }
0x9a: {  	[tilespmem:s4], [sflag:$0x2] =	stream.indirect_vreg.gather @!p0 [hbm4b:s11+s0], $0x80, v5, vm1, $0xb8;
	[tilespmem:$0x18400] =	vst v63  }
0x9b: {  	s4 =	simm.s32 @!p0 $0x6B00  }
0x9c: {  	[tilespmem:s4], [sflag:$0x2] =	stream.indirect_vreg.gather @!p0 [hbm4b:s12+s0], $0x80, v5, vm1, $0xb8;
	[tilespmem:$0x18400] =	vst v63  }
0x9d: {  	s4 =	simm.s32 @!p0 $0x7300  }
0x9e: {  	[tilespmem:s4], [sflag:$0x2] =	stream.indirect_vreg.gather @!p0 [hbm4b:s13+s0], $0x80, v5, vm1, $0xb8;
	[tilespmem:$0x18400] =	vst v63  }
0x9f: {  	s4 =	simm.s32 @!p0 $0x7B00  }
0xa0: {  	[tilespmem:s4], [sflag:$0x2] =	stream.indirect_vreg.gather @!p0 [hbm4b:s14+s0], $0x80, v5, vm1, $0xb8;
	[tilespmem:$0x18400] =	vst v63  }
0xa1: {  	v5 =	vld.msk @!p0 [tilespmem:$0x188], $0xff;
	_ =	sdelay $0x4  }
0xa2: {  	v8 =	vshll.u32 @!p0 v5, $0x4  }
0xa3: {  	v5 =	vand.u32 @!p0 $0x7, v5;
	v8 =	vand.u32 @!p0 $0xFFFFFF80, v8  }
0xa4: {  	v5 =	vor.u32 @!p0 v5, v8  }
0xa5: {  	v5 =	vperm.xlane @!p0 v5, v6;
	_ =	sdelay $0x1  }
0xa6: {  	v5 =	vadd.s32 @!p0 v7, v5;
	_ =	sdelay $0x3  }
0xa7: {  	s4 =	simm.s32 @!p0 $0x10300  }
0xa8: {  	[tilespmem:s4], [sflag:$0x5] =	stream.indirect_vreg.gather @!p0 [hbm4b:s3+s0], $0x80, v5, vm1, $0xb8;
	[tilespmem:$0x18400] =	vst v63  }
0xa9: {  	s4 =	simm.s32 @!p0 $0x10B00  }
0xaa: {  	[tilespmem:s4], [sflag:$0x5] =	stream.indirect_vreg.gather @!p0 [hbm4b:s15+s0], $0x80, v5, vm1, $0xb8;
	[tilespmem:$0x18400] =	vst v63  }
0xab: {  	s4 =	simm.s32 @!p0 $0x11300  }
0xac: {  	[tilespmem:s4], [sflag:$0x5] =	stream.indirect_vreg.gather @!p0 [hbm4b:s16+s0], $0x80, v5, vm1, $0xb8;
	[tilespmem:$0x18400] =	vst v63  }
0xad: {  	s4 =	simm.s32 @!p0 $0x11B00  }
0xae: {  	[tilespmem:s4], [sflag:$0x5] =	stream.indirect_vreg.gather @!p0 [hbm4b:s17+s0], $0x80, v5, vm1, $0xb8;
	[tilespmem:$0x18400] =	vst v63  }
0xaf: {  	s4 =	simm.s32 @!p0 $0x12300  }
0xb0: {  	[tilespmem:s4], [sflag:$0x5] =	stream.indirect_vreg.gather @!p0 [hbm4b:s18+s0], $0x80, v5, vm1, $0xb8;
	[tilespmem:$0x18400] =	vst v63  }
0xb1: {  	s4 =	simm.s32 @!p0 $0x12B00  }
0xb2: {  	[tilespmem:s4], [sflag:$0x5] =	stream.indirect_vreg.gather @!p0 [hbm4b:s19+s0], $0x80, v5, vm1, $0xb8;
	[tilespmem:$0x18400] =	vst v63  }
.Ltmp6:
0xb3: {  	s4 =	simm.s32 @!p0 $0x13300;
	(pc) =	sbr.rel .LBB2_9-.Ltmp6, $4  }
0xb4: {  	[tilespmem:s4], [sflag:$0x5] =	stream.indirect_vreg.gather @!p0 [hbm4b:s20+s0], $0x80, v5, vm1, $0xb8;
	[tilespmem:$0x18400] =	vst v63  }
0xb5: {  	s28 =	simm.s32 $0x370;
	s4 =	simm.s32 @!p0 $0x13B00  }
0xb6: {  	[tilespmem:s4], [sflag:$0x5] =	stream.indirect_vreg.gather @!p0 [hbm4b:s21+s0], $0x80, v5, vm1, $0xb8;
	[tilespmem:$0x18400] =	vst v63  }
0xb7: {  	s31 =	smov.u32 s29;
	s26 =	simm.s32 $0xC340;
	v7 =	vimm.f32 $0.0e+00;
	s0 =	simm.s32 $0x0;
	v5 =	vimm.s32 $0x0  }
.LBB2_14:
0xb8: {  	s0 =	sadd.s32 $0x1, s0  }
0xb9: {  	p0 =	sne.s32 s0, s1  }
.Ltmp7:
0xba: {  	_ = 	snop;
	(pc) =	sbr.rel @!p0 .LBB2_15-.Ltmp7, $2  }
0xbb: {  	_ =	sdelay $0x2  }
0xbc: {  	s31 =	sadd.s32 $0xFFFFFFF8, s31;
	s26 =	sadd.s32 $0x4000, s26;
	s28 =	sadd.s32 $0x4000, s28  }
.LBB2_9:
0xbd: {  	s4 =	sadd.s32 $0x2, s0  }
0xbe: {  	p0 =	sge.s32 s4, s1  }
0xbf: {  	s5 =	sshll.u32 @!p0 s4, $0x5  }
0xc0: {  	s5 =	sshra.s32 @!p0 s5, $0x2  }
0xc1: {  	v6 =	vld.msk @!p0 [tilespmem:s5+$0x180], $0xff;
	_ =	sdelay $0x4  }
0xc2: {  	v8 =	vshll.u32 @!p0 v6, $0x4  }
0xc3: {  	v9 =	vlaneseq.u32 @!p0;
	v6 =	vand.u32 @!p0 $0x7, v6;
	v8 =	vand.u32 @!p0 $0xFFFFFF80, v8  }
0xc4: {  	s6 =	smulhi.u32 @!p0 $0xAAAAAAAB, s4;
	v6 =	vor.u32 @!p0 v6, v8;
	v8 =	vand.u32 @!p0 $0x7, v9;
	v9 =	vshrl.u32 @!p0 v9, $0x3  }
0xc5: {  	v6 =	vperm.xlane @!p0 v6, v8;
	v9 =	vmul.u32 @!p0 $0x8, v9  }
0xc6: {  	s6 =	sshrl.u32 @!p0 s6, $0x1  }
0xc7: {  	s6 =	smul.u32 @!p0 $0x3, s6;
	v6 =	vadd.s32 @!p0 v9, v6;
	_ =	sdelay $0x1  }
0xc8: {  	s4 =	ssub.s32 @!p0 s4, s6  }
0xc9: {  	s6 =	sshll.u32 @!p0 s4, $0xE  }
0xca: {  	vm1 =	vmmov @!p0 $0xffff;
	s23 =	simm.s32 @!p0 $0x0;
	s22 =	sadd.s32 @!p0 $0x1, s4;
	s7 =	sor.u32 @!p0 $0x300, s6  }
0xcb: {  	[tilespmem:s7], [sflag:s22] =	stream.indirect_vreg.gather @!p0 [hbm4b:s2+s23], $0x80, v6, vm1, $0xb8;
	[tilespmem:$0x18400] =	vst v63  }
0xcc: {  	s7 =	sor.u32 @!p0 $0xB00, s6  }
0xcd: {  	[tilespmem:s7], [sflag:s22] =	stream.indirect_vreg.gather @!p0 [hbm4b:s8+s23], $0x80, v6, vm1, $0xb8;
	[tilespmem:$0x18400] =	vst v63  }
0xce: {  	s7 =	sor.u32 @!p0 $0x1300, s6  }
0xcf: {  	[tilespmem:s7], [sflag:s22] =	stream.indirect_vreg.gather @!p0 [hbm4b:s9+s23], $0x80, v6, vm1, $0xb8;
	[tilespmem:$0x18400] =	vst v63  }
0xd0: {  	s7 =	sor.u32 @!p0 $0x1B00, s6  }
0xd1: {  	[tilespmem:s7], [sflag:s22] =	stream.indirect_vreg.gather @!p0 [hbm4b:s10+s23], $0x80, v6, vm1, $0xb8;
	[tilespmem:$0x18400] =	vst v63  }
0xd2: {  	s7 =	sor.u32 @!p0 $0x2300, s6  }
0xd3: {  	[tilespmem:s7], [sflag:s22] =	stream.indirect_vreg.gather @!p0 [hbm4b:s11+s23], $0x80, v6, vm1, $0xb8;
	[tilespmem:$0x18400] =	vst v63  }
0xd4: {  	s7 =	sor.u32 @!p0 $0x2B00, s6  }
0xd5: {  	[tilespmem:s7], [sflag:s22] =	stream.indirect_vreg.gather @!p0 [hbm4b:s12+s23], $0x80, v6, vm1, $0xb8;
	[tilespmem:$0x18400] =	vst v63  }
0xd6: {  	s7 =	sor.u32 @!p0 $0x3300, s6  }
0xd7: {  	[tilespmem:s7], [sflag:s22] =	stream.indirect_vreg.gather @!p0 [hbm4b:s13+s23], $0x80, v6, vm1, $0xb8;
	[tilespmem:$0x18400] =	vst v63  }
0xd8: {  	s7 =	sor.u32 @!p0 $0x3B00, s6  }
0xd9: {  	[tilespmem:s7], [sflag:s22] =	stream.indirect_vreg.gather @!p0 [hbm4b:s14+s23], $0x80, v6, vm1, $0xb8;
	[tilespmem:$0x18400] =	vst v63  }
0xda: {  	v6 =	vld.msk @!p0 [tilespmem:s5+$0x180], $0xff;
	_ =	sdelay $0x4  }
0xdb: {  	v10 =	vshll.u32 @!p0 v6, $0x4  }
0xdc: {  	v6 =	vand.u32 @!p0 $0x7, v6;
	v10 =	vand.u32 @!p0 $0xFFFFFF80, v10  }
0xdd: {  	v6 =	vor.u32 @!p0 v6, v10  }
0xde: {  	v6 =	vperm.xlane @!p0 v6, v8;
	_ =	sdelay $0x1  }
0xdf: {  	v6 =	vadd.s32 @!p0 v9, v6;
	_ =	sdelay $0x3  }
0xe0: {  	s7 =	sor.u32 @!p0 $0x4, s4;
	s5 =	sadd.s32 @!p0 $0xC300, s6  }
0xe1: {  	[tilespmem:s5], [sflag:s7] =	stream.indirect_vreg.gather @!p0 [hbm4b:s3+s23], $0x80, v6, vm1, $0xb8;
	[tilespmem:$0x18400] =	vst v63  }
0xe2: {  	s4 =	sadd.s32 @!p0 $0xCB00, s6  }
0xe3: {  	[tilespmem:s4], [sflag:s7] =	stream.indirect_vreg.gather @!p0 [hbm4b:s15+s23], $0x80, v6, vm1, $0xb8;
	[tilespmem:$0x18400] =	vst v63  }
0xe4: {  	s4 =	sadd.s32 @!p0 $0xD300, s6  }
0xe5: {  	[tilespmem:s4], [sflag:s7] =	stream.indirect_vreg.gather @!p0 [hbm4b:s16+s23], $0x80, v6, vm1, $0xb8;
	[tilespmem:$0x18400] =	vst v63  }
0xe6: {  	s4 =	sadd.s32 @!p0 $0xDB00, s6  }
0xe7: {  	[tilespmem:s4], [sflag:s7] =	stream.indirect_vreg.gather @!p0 [hbm4b:s17+s23], $0x80, v6, vm1, $0xb8;
	[tilespmem:$0x18400] =	vst v63  }
0xe8: {  	s30 =	smulhi.u32 $0xAAAAAAAB, s0;
	s4 =	sadd.s32 @!p0 $0xE300, s6  }
0xe9: {  	[tilespmem:s4], [sflag:s7] =	stream.indirect_vreg.gather @!p0 [hbm4b:s18+s23], $0x80, v6, vm1, $0xb8;
	[tilespmem:$0x18400] =	vst v63  }
0xea: {  	s5 =	sadd.s32 @!p0 $0xEB00, s6;
	s4 =	sshrl.u32 s30, $0x1  }
0xeb: {  	[tilespmem:s5], [sflag:s7] =	stream.indirect_vreg.gather @!p0 [hbm4b:s19+s23], $0x80, v6, vm1, $0xb8;
	[tilespmem:$0x18400] =	vst v63  }
0xec: {  	s22 =	smul.u32 $0x3, s4;
	s5 =	sadd.s32 @!p0 $0xF300, s6  }
0xed: {  	[tilespmem:s5], [sflag:s7] =	stream.indirect_vreg.gather @!p0 [hbm4b:s20+s23], $0x80, v6, vm1, $0xb8;
	[tilespmem:$0x18400] =	vst v63  }
0xee: {  	s30 =	sshll.u32 s0, $0x3;
	s6 =	sadd.s32 @!p0 $0xFB00, s6;
	s5 =	ssub.s32 s0, s22  }
0xef: {  	[tilespmem:s6], [sflag:s7] =	stream.indirect_vreg.gather @!p0 [hbm4b:s21+s23], $0x80, v6, vm1, $0xb8;
	[tilespmem:$0x18400] =	vst v63  }
0xf0: {  	s24 =	sadd.s32 $0x1, s5;
	s6 =	ssub.s32 s29, s30  }
0xf1: {  	_ =	swait.ge [sflag:s24], $0x4000;
	p0 =	slt.s32 s6, $0x1  }
.Ltmp8:
0xf2: {  	[sflag:s24] =	ssyncset.done $0x0;
	(pc) =	sbr.rel @p0 .LBB2_14-.Ltmp8, $4  }
0xf3: {  	s5 =	sadd.s32 $0x4, s5;
	[sflag:s24] =	ssyncadd.s32 $0xFFFFC000  }
0xf4: {  	_ =	swait.ge [sflag:s5], $0x4000  }
0xf5: {  	[sflag:s5] =	ssyncset.done $0x0  }
0xf6: {  	[sflag:s5] =	ssyncadd.s32 $0xFFFFC000  }
0xf7: {  	s4 =	smul.u32 $0xFFFD0000, s4;
	p0 =	sgt.s32 s31, $0x1;
	s5 =	smov.u32 s31  }
0xf8: {  	s5 =	simm.s32 @!p0 $0x1  }
0xf9: {  	s7 =	simm.s32 $0x0;
	s4 =	sshra.s32 s4, $0x2;
	s23 =	smin.u32 s5, $0x8  }
0xfa: {  	s5 =	simm.s32 $0x0;
	s6 =	sadd.s32 s4, s26;
	s22 =	sadd.s32 s4, s28  }
.LBB2_11:
0xfb: {  	s4 =	sand.u32 $0x3FFFC000, s7  }
0xfc: {  	s30 =	sadd.s32 s4, s6  }
0xfd: {  	s24 =	sadd.s32 s4, s22;
	v6 =	vld [tilespmem:s30+$0x30]  }
0xfe: {  	v8 =	vld [tilespmem:s24+$0x0]  }
0xff: {  	v9 =	vld [tilespmem:s30+$0x20]  }
0x100: {  	v10 =	vld [tilespmem:s24+$0xFFFFFFF0]  }
0x101: {  	v11 =	vld [tilespmem:s30+$0x10]  }
0x102: {  	v12 =	vld [tilespmem:s24+$0xFFFFFFE0]  }
0x103: {  	v13 =	vld [tilespmem:s30+$0x0]  }
0x104: {  	v14 =	vld [tilespmem:s24+$0xFFFFFFD0]  }
0x105: {  	v15 =	vld [tilespmem:s30+$0xFFFFFFF0]  }
0x106: {  	v16 =	vld [tilespmem:s24+$0xFFFFFFC0]  }
0x107: {  	v17 =	vld [tilespmem:s30+$0xFFFFFFE0]  }
0x108: {  	v18 =	vld [tilespmem:s30+$0xFFFFFFC0]  }
0x109: {  	v19 =	vld [tilespmem:s24+$0xFFFFFF90];
	vm1 =	vlt.f32 v6, $0.0e+00;
	vm9 =	vgt.f32 v6, $0.0e+00;
	v6 =	vsub.f32 v8, v6  }
0x10a: {  	v20 =	vld [tilespmem:s30+$0xFFFFFFD0];
	vm2 =	vlt.f32 v9, $0.0e+00;
	vm11 =	vgt.f32 v9, $0.0e+00;
	v8 =	vsub.f32 v10, v9  }
0x10b: {  	v21 =	vld [tilespmem:s24+$0xFFFFFFA0];
	vm10 =	vlt.f32 v11, $0.0e+00;
	vm12 =	vgt.f32 v11, $0.0e+00;
	v9 =	vsub.f32 v12, v11  }
0x10c: {  	vm3 =	vlt.f32 v13, $0.0e+00;
	vm4 =	vgt.f32 v13, $0.0e+00;
	v10 =	vsub.f32 v14, v13  }
0x10d: {  	v12 =	vld [tilespmem:s24+$0xFFFFFFB0];
	vm6 =	vlt.f32 v15, $0.0e+00;
	vm8 =	vgt.f32 v15, $0.0e+00;
	v11 =	vsub.f32 v16, v15  }
0x10e: {  	vm5 =	vlt.f32 v18, $0.0e+00;
	vm7 =	vgt.f32 v18, $0.0e+00;
	v13 =	vsub.f32 v19, v18  }
0x10f: {  	vm13 =	vlt.f32 v17, $0.0e+00;
	vm14 =	vgt.f32 v20, $0.0e+00;
	vm5 =	vmor vm7, vm5  }
0x110: {  	v14 =	vsub.f32 v21, v20;
	vm7 =	vlt.f32 v20, $0.0e+00;
	v13 =	vnsel vm5, $0x0, v13  }
0x111: {  	vm1 =	vmor vm9, vm1;
	vm7 =	vmor vm14, vm7;
	v13 =	vmul.f32 v13, v13  }
0x112: {  	vm14 =	vgt.f32 v17, $0.0e+00;
	v14 =	vnsel vm7, $0x0, v14;
	v15 =	vsub.f32 v12, v17  }
0x113: {  	vm9 =	vmor vm14, vm13;
	v7 =	vadd.f32 v13, v7;
	v12 =	vmul.f32 v14, v14  }
0x114: {  	s4 =	simm.s32 $0x0;
	s30 =	sadd.s32 $0x400, s30;
	vm10 =	vmor vm12, vm10;
	vm2 =	vmor vm11, vm2;
	v13 =	vnsel vm9, $0x0, v15  }
.LBB2_12:
0x115: {  	v14 =	vld [tilespmem:s30+$0x30];
	v7 =	vadd.f32 v12, v7;
	v12 =	vmul.f32 v13, v13;
	vm6 =	vmor vm8, vm6;
	s24 =	sadd.s32 $0x400, s24  }
0x116: {  	vm3 =	vmor vm4, vm3;
	v15 =	vmpcnt.ones.xlane vm1;
	v13 =	vld [tilespmem:s24+$0x0];
	v11 =	vnsel vm6, $0x0, v11  }
0x117: {  	v16 =	vld [tilespmem:s30+$0x20];
	v7 =	vadd.f32 v12, v7;
	v11 =	vmul.f32 v11, v11;
	v12 =	vmpcnt.ones.xlane vm10  }
0x118: {  	v18 =	vmpcnt.ones.xlane vm5;
	v19 =	vmpcnt.ones.xlane vm6;
	v10 =	vnsel vm3, $0x0, v10;
	v17 =	vld [tilespmem:s24+$0xFFFFFFF0]  }
0x119: {  	v21 =	vmpcnt.ones.xlane vm7;
	v10 =	vmul.f32 v10, v10;
	v20 =	vld [tilespmem:s30+$0x10];
	v7 =	vadd.f32 v11, v7  }
0x11a: {  	v9 =	vnsel vm10, $0x0, v9;
	v5 =	vadd.s32 v5, v18;
	v18 =	vmpcnt.ones.xlane vm9;
	v11 =	vld [tilespmem:s24+$0xFFFFFFE0]  }
0x11b: {  	v9 =	vmul.f32 v9, v9;
	v5 =	vadd.s32 v21, v5;
	v22 =	vld [tilespmem:s30+$0x0];
	v7 =	vadd.f32 v10, v7  }
0x11c: {  	v8 =	vnsel vm2, $0x0, v8;
	v5 =	vadd.s32 v18, v5;
	v18 =	vmpcnt.ones.xlane vm3;
	v10 =	vld [tilespmem:s24+$0xFFFFFFD0]  }
0x11d: {  	v8 =	vmul.f32 v8, v8;
	v5 =	vadd.s32 v19, v5;
	v21 =	vld [tilespmem:s30+$0xFFFFFFF0];
	v7 =	vadd.f32 v9, v7  }
0x11e: {  	v6 =	vnsel vm1, $0x0, v6;
	v5 =	vadd.s32 v18, v5;
	v9 =	vmpcnt.ones.xlane vm2;
	v19 =	vld [tilespmem:s24+$0xFFFFFFC0]  }
0x11f: {  	v5 =	vadd.s32 v12, v5;
	v18 =	vld [tilespmem:s30+$0xFFFFFFE0];
	v7 =	vadd.f32 v8, v7;
	v8 =	vmul.f32 v6, v6  }
0x120: {  	vm1 =	vlt.f32 v14, $0.0e+00;
	vm2 =	vgt.f32 v14, $0.0e+00;
	v5 =	vadd.s32 v9, v5;
	v12 =	vld [tilespmem:s30+$0xFFFFFFC0]  }
0x121: {  	s4 =	sadd.s32 $0x8, s4;
	v6 =	vsub.f32 v13, v14;
	v5 =	vadd.s32 v15, v5;
	v23 =	vld [tilespmem:s24+$0xFFFFFF90];
	v7 =	vadd.f32 v8, v7  }
0x122: {  	p0 =	slt.u32 s4, $0x78;
	vm11 =	vlt.f32 v16, $0.0e+00;
	vm12 =	vgt.f32 v16, $0.0e+00;
	v8 =	vsub.f32 v17, v16;
	v13 =	vld [tilespmem:s30+$0xFFFFFFD0]  }
0x123: {  	vm10 =	vlt.f32 v20, $0.0e+00;
	vm13 =	vgt.f32 v20, $0.0e+00;
	v9 =	vsub.f32 v11, v20;
	v14 =	vld [tilespmem:s24+$0xFFFFFFA0]  }
0x124: {  	vm3 =	vlt.f32 v22, $0.0e+00;
	vm4 =	vgt.f32 v22, $0.0e+00;
	v10 =	vsub.f32 v10, v22  }
0x125: {  	vm6 =	vlt.f32 v21, $0.0e+00;
	vm8 =	vgt.f32 v21, $0.0e+00;
	v11 =	vsub.f32 v19, v21;
	v15 =	vld [tilespmem:s24+$0xFFFFFFB0]  }
0x126: {  	vm5 =	vlt.f32 v12, $0.0e+00;
	vm7 =	vgt.f32 v12, $0.0e+00;
	v12 =	vsub.f32 v23, v12  }
0x127: {  	vm9 =	vlt.f32 v18, $0.0e+00;
	vm5 =	vmor vm7, vm5;
	vm7 =	vlt.f32 v13, $0.0e+00  }
.Ltmp9:
0x128: {  	vm14 =	vgt.f32 v13, $0.0e+00;
	v12 =	vnsel vm5, $0x0, v12;
	v13 =	vsub.f32 v14, v13;
	(pc) =	sbr.rel @p0 .LBB2_12-.Ltmp9, $4  }
0x129: {  	vm7 =	vmor vm14, vm7;
	vm14 =	vgt.f32 v18, $0.0e+00;
	v12 =	vmul.f32 v12, v12  }
0x12a: {  	vm1 =	vmor vm2, vm1;
	v13 =	vnsel vm7, $0x0, v13;
	v14 =	vsub.f32 v15, v18  }
0x12b: {  	vm9 =	vmor vm14, vm9;
	v7 =	vadd.f32 v12, v7;
	v12 =	vmul.f32 v13, v13  }
0x12c: {  	vm2 =	vmor vm12, vm11;
	vm10 =	vmor vm13, vm10;
	s30 =	sadd.s32 $0x400, s30;
	v13 =	vnsel vm9, $0x0, v14  }
0x12d: {  	v7 =	vadd.f32 v12, v7;
	v58 =	vmul.f32 v13, v13;
	vm6 =	vmor vm8, vm6  }
0x12e: {  	vm3 =	vmor vm4, vm3;
	v59 =	vmpcnt.ones.xlane vm1;
	v11 =	vnsel vm6, $0x0, v11  }
0x12f: {  	v60 =	vmpcnt.ones.xlane vm10;
	v7 =	vadd.f32 v58, v7;
	v11 =	vmul.f32 v11, v11  }
0x130: {  	v14 =	vmpcnt.ones.xlane vm5;
	v16 =	vmpcnt.ones.xlane vm7;
	v10 =	vnsel vm3, $0x0, v10  }
0x131: {  	v61 =	vmpcnt.ones.xlane vm9;
	v10 =	vmul.f32 v10, v10;
	v7 =	vadd.f32 v11, v7  }
0x132: {  	v9 =	vnsel vm10, $0x0, v9;
	v15 =	vmpcnt.ones.xlane vm6;
	v5 =	vadd.s32 v5, v14  }
0x133: {  	s5 =	sadd.s32 $0x1, s5;
	v9 =	vmul.f32 v9, v9;
	v5 =	vadd.s32 v16, v5;
	v7 =	vadd.f32 v10, v7  }
0x134: {  	v8 =	vnsel vm2, $0x0, v8;
	v62 =	vmpcnt.ones.xlane vm3;
	p0 =	sne.s32 s5, s23;
	v5 =	vadd.s32 v61, v5  }
.Ltmp10:
0x135: {  	v8 =	vmul.f32 v8, v8;
	v5 =	vadd.s32 v15, v5;
	v7 =	vadd.f32 v9, v7;
	(pc) =	sbr.rel @p0 .LBB2_11-.Ltmp10, $4  }
.Ltmp11:
0x136: {  	v63 =	vmpcnt.ones.xlane vm2;
	v6 =	vnsel vm1, $0x0, v6;
	v5 =	vadd.s32 v62, v5;
	(pc) =	sbr.rel @!p0 .LBB2_14-.Ltmp11, $4  }
0x137: {  	v6 =	vmul.f32 v6, v6;
	v5 =	vadd.s32 v60, v5;
	v7 =	vadd.f32 v8, v7  }
0x138: {  	v5 =	vadd.s32 v63, v5  }
0x139: {  	s6 =	sadd.s32 $0x80, s6;
	s7 =	sadd.s32 $0x800, s7;
	s22 =	sadd.s32 $0x80, s22;
	v5 =	vadd.s32 v59, v5;
	v7 =	vadd.f32 v6, v7  }
0x13a: {  	_ = 	snop  }
.LBB2_7:
.Ltmp12:
0x13b: {  	(pc) =	sbr.rel .LBB2_16-.Ltmp12, $2  }
0x13c: {  	_ =	sdelay $0x2  }
0x13d: {  	v7 =	vimm.f32 $0.0e+00;
	v5 =	vimm.f32 $0.0e+00  }
.LBB2_2:
.Ltmp13:
0x13e: {  	(pc) =	sbr.rel .LBB2_6-.Ltmp13, $2  }
0x13f: {  	_ =	sdelay $0x2  }
0x140: {  	s1 =	simm.s32 $0x0;
	s0 =	smov.u32 s23  }
.LBB2_4:
.Ltmp14:
0x141: {  	(pc) =	sbr.rel .LBB2_6-.Ltmp14, $2  }
0x142: {  	_ =	sdelay $0x2  }
0x143: {  	s1 =	simm.s32 $0x0;
	s0 =	smov.u32 s23  }
.LBB2_17:
0x144: {  	_ =	sfence.sel $0x180000  }
0x145: {  	[bflag:$0x0] =	sbarrier.arrive $0xFFFF  }
0x146: {  	_ =	strace $0x90000047  }
0x147: {  	s0 =	stileid.u32;
	[bflag:$0x2] =	sbarrier.arrive $0xFFFF  }
0x148: {  	p0 =	sne.s32 s0, $0x0;
	s0 =	rddreg [dreg:$0x3]  }
0x149: {  	s0 =	sadd.s32 @!p0 $0x100000, s0  }
0x14a: {  	[sflag:s0] =	ssyncadd.tile.s32 @!p0 $0x1;
	_ =	shalt  }
.Lfunc_end2:
_tile_overlayer_lowered:
.L_overlay_start_2:
0x14b: {  	(tag) =	ssettag $0x2  }
0x14c: {  	s0 =	rddreg [dreg:$0x0];
	s2 =	stileid.u32  }
0x14d: {  	s1 =	rddreg [dreg:$0x1];
	p0 =	sne.s32 s2, $0x0  }
0x14e: {  	s3 =	rddreg [dreg:$0x2];
	[bflag:$0x3] =	sbarrier.arrive $0xFFFF;
	s2 =	simm.s32 @!p0 $0x1C07  }
0x14f: {  	[timem:s3], [sflag:s2] =	dma.local @!p0 [hbm:s0], s1  }
0x150: {  	s0 =	simm.s32 @!p0 $0x7  }
0x151: {  	_ =	swait.ge @!p0 [sflag:s0], s1  }
0x152: {  	s1 =	ssub.s32 @!p0 $0x0, s1;
	[sflag:s0] =	ssyncset.done @!p0 $0x0  }
0x153: {  	[sflag:s0] =	ssyncadd.s32 @!p0 s1  }
0x154: {  	[bflag:$0x3] =	sbarrier.arrive $0xFFFF  }
0x155: {  	_ =	shalt  }

</sc_bundles>
